<compile_context>
chip_gen: v7x
topology: tpu7x:2x2x1
jax: 0.10.2.dev20260603
libtpu: 0.0.44.dev20260713+nightly
codegen_flags: <defaults>
</compile_context>

<pallas_src>
import jax
import jax.numpy as jnp
from jax.experimental import pallas as pl
from jax.experimental.pallas import tpu as pltpu
from jax.experimental.pallas import tpu_sc as plsc

_T = 256


def _gelu_exact(x):
    return 0.5 * x * (1.0 + jax.lax.erf(x * (2.0 ** -0.5)))


def _cumsum0(a):
    n = a.shape[0]
    s = 1
    while s < n:
        a = a + jnp.concatenate(
            [jnp.zeros((s, a.shape[1]), a.dtype), a[:n - s]], axis=0)
        s *= 2
    return a


def _cumsum1(a):
    n = a.shape[1]
    s = 1
    while s < n:
        a = a + jnp.concatenate(
            [jnp.zeros((a.shape[0], s), a.dtype), a[:, :n - s]], axis=1)
        s *= 2
    return a


def _dispatch_body(x_ref, gw_ref, gb_ref,
                   pos_ref, ts_ref, te1_ref, lo_ref, hi_ref):
    N = x_ref.shape[0]
    E = gw_ref.shape[0]
    T = _T

    logits = jax.lax.dot_general(
        x_ref[...], gw_ref[...], (((1,), (1,)), ((), ())),
        preferred_element_type=jnp.float32,
        precision=jax.lax.Precision.DEFAULT,
    ) + gb_ref[...]

    lane = jax.lax.broadcasted_iota(jnp.int32, (N, E), 1)
    maxv = jnp.max(logits, axis=1, keepdims=True)
    eids = jnp.min(jnp.where(logits == maxv, lane, E), axis=1, keepdims=True)

    onehot = (eids == lane).astype(jnp.int32)
    counts = jnp.sum(onehot, axis=0, keepdims=True)
    cend = _cumsum1(counts)
    start = cend - counts
    rank = _cumsum0(onehot) - onehot
    pos = jnp.sum(onehot * (start + rank), axis=1, keepdims=True)
    pos_ref[...] = pos.astype(jnp.int32)

    ts = start // T
    te = (cend - 1) // T
    empty = counts == 0
    ts_ref[...] = jnp.where(empty, 0, ts).astype(jnp.int32).reshape(E, 1)
    te1_ref[...] = jnp.where(empty, 0, te + 1).astype(jnp.int32).reshape(E, 1)
    lo_ref[...] = start.astype(jnp.int32).reshape(E, 1)
    hi_ref[...] = cend.astype(jnp.int32).reshape(E, 1)


_SC_W = 128


def _sc_permute_rows(src, idx2, direction):
    N, D = src.shape
    W = _SC_W
    NW = N // W
    mesh = plsc.VectorSubcoreMesh(core_axis_name="core",
                                  subcore_axis_name="subcore")
    nu = mesh.num_cores * mesh.num_subcores
    jmax = (NW + nu - 1) // nu

    H = W // 2

    @pl.kernel(out_type=jax.ShapeDtypeStruct((N, D), src.dtype), mesh=mesh,
               scratch_types=[pltpu.VMEM((1, W), jnp.int32),
                              pltpu.VMEM((H, D), src.dtype),
                              pltpu.VMEM((H, D), src.dtype),
                              pltpu.SemaphoreType.DMA,
                              pltpu.SemaphoreType.DMA])
    def k(s_hbm, i_hbm, o_hbm, ibuf, dbuf0, dbuf1, sem0, sem1):
        c = jax.lax.axis_index("core")
        s = jax.lax.axis_index("subcore")
        u = c * mesh.num_subcores + s

        @pl.loop(0, jmax)
        def _(j):
            w = u + j * nu

            @pl.when(w < NW)
            def _():
                pltpu.async_copy(
                    i_hbm.at[:, pl.ds(w * W, W)], ibuf, sem0).wait()
                halves = []
                for h, (dbuf, sem) in enumerate(((dbuf0, sem0),
                                                 (dbuf1, sem1))):
                    iview = ibuf.at[0, pl.ds(h * H, H)]
                    rows = pl.ds(w * W + h * H, H)
                    src_ref = s_hbm.at[iview] if direction == "gather" \
                        else s_hbm.at[rows]
                    dst_ref = o_hbm.at[rows] if direction == "gather" \
                        else o_hbm.at[iview]
                    cp_in = pltpu.async_copy(src_ref, dbuf, sem)
                    halves.append((cp_in, dbuf, dst_ref, sem))
                for cp_in, dbuf, dst_ref, sem in halves:
                    cp_in.wait()
                    pltpu.async_copy(dbuf, dst_ref, sem).wait()

    return k(src, idx2)


def _sc_scatter_rows(x, idx2):
    return _sc_permute_rows(x, idx2, "scatter")


def _sc_gather_rows(src, idx2):
    return _sc_permute_rows(src, idx2, "gather")


_DEPTH = 3


def _ffn_body(ts_ref, te1_ref, lo_ref, hi_ref,
              x_ref, w1_any, b1_ref, w2_any, b2_ref, o_ref,
              w1buf, w2buf, sem1, sem2):
    E = b1_ref.shape[0]
    Fh = w1buf.shape[1]
    T = _T
    S = 2 * E

    def issue(s):
        e = s // 2
        fh = s % 2
        slot = s % _DEPTH
        pltpu.make_async_copy(
            w1_any.at[e, pl.ds(fh * Fh, Fh), :], w1buf.at[slot],
            sem1.at[slot]).start()
        pltpu.make_async_copy(
            w2_any.at[e, :, pl.ds(fh * Fh, Fh)], w2buf.at[slot],
            sem2.at[slot]).start()

    for s in range(_DEPTH):
        issue(s)

    def stage(s, carry):
        e = s // 2
        fh = s % 2
        slot = s % _DEPTH
        pltpu.make_async_copy(
            w1_any.at[e, pl.ds(fh * Fh, Fh), :], w1buf.at[slot],
            sem1.at[slot]).wait()
        pltpu.make_async_copy(
            w2_any.at[e, :, pl.ds(fh * Fh, Fh)], w2buf.at[slot],
            sem2.at[slot]).wait()

        lo = lo_ref[e]
        hi = hi_ref[e]
        w1 = w1buf[slot].astype(jnp.bfloat16)
        w2 = w2buf[slot].astype(jnp.bfloat16)
        b1h = b1_ref[e, 0, pl.ds(fh * Fh, Fh)]
        b2v = b2_ref[e]

        def tile_body(t, c):
            xb = x_ref[pl.ds(t * T, T), :].astype(jnp.bfloat16)
            h = jax.lax.dot_general(
                xb, w1, (((1,), (1,)), ((), ())),
                preferred_element_type=jnp.float32)
            h = _gelu_exact(h + b1h)
            y = jax.lax.dot_general(
                h.astype(jnp.bfloat16), w2, (((1,), (1,)), ((), ())),
                preferred_element_type=jnp.float32)
            y = y + b2v * jnp.where(fh == 0, 1.0, 0.0)
            rowid = jax.lax.broadcasted_iota(jnp.int32, (T, 1), 0) + t * T
            mask = (rowid >= lo) & (rowid < hi)
            first_owner = (fh == 0) & (t * T >= lo)

            @pl.when(first_owner)
            def _init():
                o_ref[pl.ds(t * T, T), :] = jnp.where(mask, y, 0.0)

            @pl.when(jnp.logical_not(first_owner))
            def _accum():
                o_ref[pl.ds(t * T, T), :] += jnp.where(mask, y, 0.0)

            return c

        jax.lax.fori_loop(ts_ref[e], te1_ref[e], tile_body, 0)

        @pl.when(s + _DEPTH < S)
        def _prefetch():
            issue_dyn(s + _DEPTH)

        return carry

    def issue_dyn(s):
        e = s // 2
        fh = s % 2
        slot = s % _DEPTH
        pltpu.make_async_copy(
            w1_any.at[e, pl.ds(fh * Fh, Fh), :], w1buf.at[slot],
            sem1.at[slot]).start()
        pltpu.make_async_copy(
            w2_any.at[e, :, pl.ds(fh * Fh, Fh)], w2buf.at[slot],
            sem2.at[slot]).start()

    jax.lax.fori_loop(0, S, stage, 0)


def kernel(x, gate_W, gate_b, W1, b1, W2, b2):
    Bd, L, Dd = x.shape
    E, F, _ = W1.shape
    N = Bd * L
    T = _T

    x_flat = x.reshape(N, Dd)

    i32 = jnp.int32
    pos2, ts_a, te1_a, lo_a, hi_a = pl.pallas_call(
        _dispatch_body,
        grid=(1,),
        in_specs=[
            pl.BlockSpec((N, Dd), lambda i: (0, 0)),
            pl.BlockSpec((E, Dd), lambda i: (0, 0)),
            pl.BlockSpec((1, E), lambda i: (0, 0)),
        ],
        out_specs=[
            pl.BlockSpec((N, 1), lambda i: (0, 0)),
            pl.BlockSpec((E, 1), lambda i: (0, 0)),
            pl.BlockSpec((E, 1), lambda i: (0, 0)),
            pl.BlockSpec((E, 1), lambda i: (0, 0)),
            pl.BlockSpec((E, 1), lambda i: (0, 0)),
        ],
        out_shape=[
            jax.ShapeDtypeStruct((N, 1), i32),
            jax.ShapeDtypeStruct((E, 1), i32),
            jax.ShapeDtypeStruct((E, 1), i32),
            jax.ShapeDtypeStruct((E, 1), i32),
            jax.ShapeDtypeStruct((E, 1), i32),
        ],
    )(x_flat, gate_W, gate_b.reshape(1, E))
    posr = pos2.reshape(1, N)
    ts_a, te1_a, lo_a, hi_a = (
        a.reshape(E) for a in (ts_a, te1_a, lo_a, hi_a))

    x_sorted = _sc_scatter_rows(x_flat, posr)

    Fh = F // 2
    f32 = jnp.float32
    grid_spec = pltpu.PrefetchScalarGridSpec(
        num_scalar_prefetch=4,
        grid=(1,),
        in_specs=[
            pl.BlockSpec((N, Dd), lambda i, *s: (0, 0)),
            pl.BlockSpec(memory_space=pltpu.MemorySpace.HBM),
            pl.BlockSpec((E, 1, F), lambda i, *s: (0, 0, 0)),
            pl.BlockSpec(memory_space=pltpu.MemorySpace.HBM),
            pl.BlockSpec((E, 1, Dd), lambda i, *s: (0, 0, 0)),
        ],
        out_specs=pl.BlockSpec((N, Dd), lambda i, *s: (0, 0)),
        scratch_shapes=[
            pltpu.VMEM((_DEPTH, Fh, Dd), f32),
            pltpu.VMEM((_DEPTH, Dd, Fh), f32),
            pltpu.SemaphoreType.DMA((_DEPTH,)),
            pltpu.SemaphoreType.DMA((_DEPTH,)),
        ],
    )
    out_sorted = pl.pallas_call(
        _ffn_body,
        grid_spec=grid_spec,
        out_shape=jax.ShapeDtypeStruct((N, Dd), jnp.float32),
        compiler_params=pltpu.CompilerParams(vmem_limit_bytes=63 << 20),
    )(ts_a, te1_a, lo_a, hi_a,
      x_sorted, W1, b1.reshape(E, 1, F), W2, b2.reshape(E, 1, Dd))

    out = _sc_gather_rows(out_sorted, posr)
    return out.reshape(Bd, L, Dd)

# --- scband reference (transcript-rebuilt; emitter-appended) ---
"""Pipeline reference for scband-sparse-mo-e-63161789054987 (READ-ONLY COPY).

The authoritative reference and input builder live on the scoring server;
editing this copy changes nothing except your own understanding.
"""

import jax, jax.numpy as jnp
import numpy as np

B, L, D, F, E, K = 2, 2048, 768, 3072, 16, 1


def setup_inputs(seed: int = 0) -> dict:
    key = jax.random.key(seed)
    ks = jax.random.split(key, 6)
    x = jax.random.normal(ks[0], (B, L, D), dtype=jnp.float32)
    gate_W = jax.random.normal(ks[1], (E, D), dtype=jnp.float32) * 0.02
    gate_b = jnp.zeros((E,), dtype=jnp.float32)
    W1 = jax.random.normal(ks[2], (E, F, D), dtype=jnp.float32) * 0.02
    b1 = jnp.zeros((E, F), dtype=jnp.float32)
    W2 = jax.random.normal(ks[3], (E, D, F), dtype=jnp.float32) * 0.02
    b2 = jnp.zeros((E, D), dtype=jnp.float32)
    return {"x": x, "gate_W": gate_W, "gate_b": gate_b, "W1": W1, "b1": b1, "W2": W2, "b2": b2}


def reference(x, gate_W, gate_b, W1, b1, W2, b2):
    bs, l, d = x.shape
    # Router: logits -> topk -> sparse softmax gating (TopkRouter)
    logits = x @ gate_W.T + gate_b                       # (B, L, E)
    topk_vals, topk_idx = jax.lax.top_k(logits, K)       # (B, L, K)
    onehot = jax.nn.one_hot(topk_idx, E, dtype=jnp.float32).sum(axis=-2)  # (B, L, E)
    mask = onehot > 0
    sparse_logits = jnp.where(mask, logits, -jnp.inf)
    gating = jax.nn.softmax(sparse_logits, axis=-1)      # (B, L, E)

    flat_x = x.reshape(-1, d)
    flat_g = gating.reshape(-1, E)
    flat_idx = topk_idx.reshape(-1, K)

    out = jnp.zeros((bs * l, d), dtype=jnp.float32)
    for i in range(E):
        sel_mask = (flat_idx == i).any(axis=-1)           # (B*L,)
        h = jax.nn.gelu(flat_x @ W1[i].T + b1[i], approximate=False)  # nn.GELU (exact)
        # dropout p=0.0 (eval) -> identity
        yi = h @ W2[i].T + b2[i]
        yi = yi * flat_g[:, i][:, None]                   # gating weight
        out = out + jnp.where(sel_mask[:, None], yi, 0.0)
    return out.reshape(bs, l, d)

if __name__ == "__main__":
    import jax
    _d = setup_inputs()
    print(jax.jit(kernel)(*tuple(_d.values())))

</pallas_src>

<mosaic_0001>
#map = affine_map<(d0, d1) -> (0, 0)>
module attributes {stable_mosaic.version = 14 : i64} {
  func.func @k(%arg0: i32, %arg1: i32, %arg2: memref<4096x768xf32, #tpu.memory_space<hbm>>, %arg3: memref<1x4096xi32, #tpu.memory_space<hbm>>, %arg4: memref<4096x768xf32, #tpu.memory_space<hbm>>, %arg5: memref<1x128xi32, #tpu.memory_space<vmem>>, %arg6: memref<64x768xf32, #tpu.memory_space<vmem>>, %arg7: memref<64x768xf32, #tpu.memory_space<vmem>>, %arg8: memref<!tpu.dma_semaphore, #tpu.memory_space<semaphore_mem>>, %arg9: memref<!tpu.dma_semaphore, #tpu.memory_space<semaphore_mem>>) attributes {dimension_semantics = [#tpu.dimension_semantics<core_parallel>, #tpu.dimension_semantics<subcore_parallel>], iteration_bounds = array<i64: 2, 16>, scalar_prefetch = 0 : i64, scratch_operands = 5 : i64, tpu.core_type = #tpu.core_type<sc_vector_subcore>, window_params = [{transform_indices = #map}, {transform_indices = #map}, {transform_indices = #map}]} {
    %mul3A = arith.constant 16 : i32
    %mul3A_0 = arith.muli %arg0, %mul3A : i32
    %add3A = arith.addi %mul3A_0, %arg1 : i32
    %scan3A = arith.constant 0 : i32
    %mul3A_1 = arith.constant 1 : i32
    %mul3A_2 = arith.muli %scan3A, %mul3A_1 : i32
    %add3A_3 = arith.constant 0 : i32
    %add3A_4 = arith.addi %add3A_3, %mul3A_2 : i32
    %mul3A_5 = arith.constant 32 : i32
    %mul3A_6 = arith.muli %add3A_4, %mul3A_5 : i32
    %add3A_7 = arith.addi %add3A, %mul3A_6 : i32
    %lt3A = arith.constant 32 : i32
    %lt3A_8 = arith.cmpi slt, %add3A_7, %lt3A : i32
    %convert_element_type3A = arith.extui %lt3A_8 : i1 to i32
    %cond3A = arith.constant 0 : i32
    %cond3A_9 = arith.cmpi ne, %convert_element_type3A, %cond3A : i32
    scf.if %cond3A_9 {
      %mul3A_11 = arith.constant 128 : i32
      %mul3A_12 = arith.muli %add3A_7, %mul3A_11 : i32
      %dma_start3A = arith.constant 0 : i32
      %dma_start3A_13 = tpu.memref_slice %arg3[%dma_start3A, %mul3A_12] : memref<1x4096xi32, #tpu.memory_space<hbm>> -> memref<1x128xi32, #tpu.memory_space<hbm>>
      %dma_start3A_14 = arith.constant 0 : i32
      %dma_start3A_15 = tpu.memref_slice %arg3[%dma_start3A_14, %mul3A_12] : memref<1x4096xi32, #tpu.memory_space<hbm>> -> memref<1x128xi32, #tpu.memory_space<hbm>>
      tpu.enqueue_dma source(%dma_start3A_15 : memref<1x128xi32, #tpu.memory_space<hbm>>) target(%arg5 : memref<1x128xi32, #tpu.memory_space<vmem>>) target_semaphore(%arg8 : memref<!tpu.dma_semaphore, #tpu.memory_space<semaphore_mem>>)
      %dma_wait3A = arith.constant 0 : i32
      %dma_wait3A_16 = tpu.memref_slice %arg3[%dma_wait3A, %mul3A_12] : memref<1x4096xi32, #tpu.memory_space<hbm>> -> memref<1x128xi32, #tpu.memory_space<hbm>>
      %dma_wait3A_17 = arith.constant 0 : i32
      %dma_wait3A_18 = tpu.memref_slice %arg3[%dma_wait3A_17, %mul3A_12] : memref<1x4096xi32, #tpu.memory_space<hbm>> -> memref<1x128xi32, #tpu.memory_space<hbm>>
      tpu.wait_dma2 semaphore(%arg8 : memref<!tpu.dma_semaphore, #tpu.memory_space<semaphore_mem>>) src(%dma_wait3A_18 : memref<1x128xi32, #tpu.memory_space<hbm>>) dst(%arg5 : memref<1x128xi32, #tpu.memory_space<vmem>>)
      %mul3A_19 = arith.constant 128 : i32
      %mul3A_20 = arith.muli %add3A_7, %mul3A_19 : i32
      %add3A_21 = arith.constant 0 : i32
      %add3A_22 = arith.addi %mul3A_20, %add3A_21 : i32
      %dma_start3A_23 = arith.constant 0 : i32
      %dma_start3A_24 = tpu.memref_slice %arg2[%add3A_22, %dma_start3A_23] : memref<4096x768xf32, #tpu.memory_space<hbm>> -> memref<64x768xf32, #tpu.memory_space<hbm>>
      %dma_start3A_25 = arith.constant 0 : i32
      %dma_start3A_26 = tpu.memref_slice %arg2[%add3A_22, %dma_start3A_25] : memref<4096x768xf32, #tpu.memory_space<hbm>> -> memref<64x768xf32, #tpu.memory_space<hbm>>
      tpu.enqueue_dma source(%dma_start3A_26 : memref<64x768xf32, #tpu.memory_space<hbm>>) target(%arg6 : memref<64x768xf32, #tpu.memory_space<vmem>>) target_semaphore(%arg8 : memref<!tpu.dma_semaphore, #tpu.memory_space<semaphore_mem>>)
      %mul3A_27 = arith.constant 128 : i32
      %mul3A_28 = arith.muli %add3A_7, %mul3A_27 : i32
      %add3A_29 = arith.constant 64 : i32
      %add3A_30 = arith.addi %mul3A_28, %add3A_29 : i32
      %dma_start3A_31 = arith.constant 0 : i32
      %dma_start3A_32 = tpu.memref_slice %arg2[%add3A_30, %dma_start3A_31] : memref<4096x768xf32, #tpu.memory_space<hbm>> -> memref<64x768xf32, #tpu.memory_space<hbm>>
      %dma_start3A_33 = arith.constant 0 : i32
      %dma_start3A_34 = tpu.memref_slice %arg2[%add3A_30, %dma_start3A_33] : memref<4096x768xf32, #tpu.memory_space<hbm>> -> memref<64x768xf32, #tpu.memory_space<hbm>>
      tpu.enqueue_dma source(%dma_start3A_34 : memref<64x768xf32, #tpu.memory_space<hbm>>) target(%arg7 : memref<64x768xf32, #tpu.memory_space<vmem>>) target_semaphore(%arg9 : memref<!tpu.dma_semaphore, #tpu.memory_space<semaphore_mem>>)
      %dma_wait3A_35 = arith.constant 0 : i32
      %dma_wait3A_36 = tpu.memref_slice %arg2[%add3A_22, %dma_wait3A_35] : memref<4096x768xf32, #tpu.memory_space<hbm>> -> memref<64x768xf32, #tpu.memory_space<hbm>>
      %dma_wait3A_37 = arith.constant 0 : i32
      %dma_wait3A_38 = tpu.memref_slice %arg2[%add3A_22, %dma_wait3A_37] : memref<4096x768xf32, #tpu.memory_space<hbm>> -> memref<64x768xf32, #tpu.memory_space<hbm>>
      tpu.wait_dma2 semaphore(%arg8 : memref<!tpu.dma_semaphore, #tpu.memory_space<semaphore_mem>>) src(%dma_wait3A_38 : memref<64x768xf32, #tpu.memory_space<hbm>>) dst(%arg6 : memref<64x768xf32, #tpu.memory_space<vmem>>)
      %dma_start3A_39 = arith.constant 0 : i32
      %dma_start3A_40 = arith.constant 0 : i32
      %dma_start3A_41 = tpu.memref_slice %arg5[%dma_start3A_39, %dma_start3A_40] : memref<1x128xi32, #tpu.memory_space<vmem>> -> memref<1x64xi32, #tpu.memory_space<vmem>>
      %dma_start3A_42 = tpu.memref_squeeze %dma_start3A_41 : memref<1x64xi32, #tpu.memory_space<vmem>> -> memref<64xi32, #tpu.memory_space<vmem>>
      %dma_start3A_43 = arith.constant 0 : i32
      %dma_start3A_44 = arith.constant 0 : i32
      %dma_start3A_45 = tpu.memref_slice %arg4[%dma_start3A_43, %dma_start3A_44] : memref<4096x768xf32, #tpu.memory_space<hbm>> -> memref<4096x768xf32, #tpu.memory_space<hbm>>
      tpu.enqueue_indirect_dma source(%arg6 : memref<64x768xf32, #tpu.memory_space<vmem>>) target(%dma_start3A_45 : memref<4096x768xf32, #tpu.memory_space<hbm>>) offsets(%dma_start3A_42 : memref<64xi32, #tpu.memory_space<vmem>>) semaphore(%arg8 : memref<!tpu.dma_semaphore, #tpu.memory_space<semaphore_mem>>)
      %dma_wait3A_46 = arith.constant 0 : i32
      %dma_wait3A_47 = arith.constant 0 : i32
      %dma_wait3A_48 = tpu.memref_slice %arg5[%dma_wait3A_46, %dma_wait3A_47] : memref<1x128xi32, #tpu.memory_space<vmem>> -> memref<1x64xi32, #tpu.memory_space<vmem>>
      %dma_wait3A_49 = tpu.memref_squeeze %dma_wait3A_48 : memref<1x64xi32, #tpu.memory_space<vmem>> -> memref<64xi32, #tpu.memory_space<vmem>>
      %dma_wait3A_50 = arith.constant 0 : i32
      %dma_wait3A_51 = arith.constant 0 : i32
      %dma_wait3A_52 = tpu.memref_slice %arg4[%dma_wait3A_50, %dma_wait3A_51] : memref<4096x768xf32, #tpu.memory_space<hbm>> -> memref<4096x768xf32, #tpu.memory_space<hbm>>
      tpu.wait_indirect_dma semaphore(%arg8 : memref<!tpu.dma_semaphore, #tpu.memory_space<semaphore_mem>>) src(%arg6 : memref<64x768xf32, #tpu.memory_space<vmem>>) dst(%dma_wait3A_52 : memref<4096x768xf32, #tpu.memory_space<hbm>>)
      %dma_wait3A_53 = arith.constant 0 : i32
      %dma_wait3A_54 = tpu.memref_slice %arg2[%add3A_30, %dma_wait3A_53] : memref<4096x768xf32, #tpu.memory_space<hbm>> -> memref<64x768xf32, #tpu.memory_space<hbm>>
      %dma_wait3A_55 = arith.constant 0 : i32
      %dma_wait3A_56 = tpu.memref_slice %arg2[%add3A_30, %dma_wait3A_55] : memref<4096x768xf32, #tpu.memory_space<hbm>> -> memref<64x768xf32, #tpu.memory_space<hbm>>
      tpu.wait_dma2 semaphore(%arg9 : memref<!tpu.dma_semaphore, #tpu.memory_space<semaphore_mem>>) src(%dma_wait3A_56 : memref<64x768xf32, #tpu.memory_space<hbm>>) dst(%arg7 : memref<64x768xf32, #tpu.memory_space<vmem>>)
      %dma_start3A_57 = arith.constant 0 : i32
      %dma_start3A_58 = arith.constant 64 : i32
      %dma_start3A_59 = tpu.memref_slice %arg5[%dma_start3A_57, %dma_start3A_58] : memref<1x128xi32, #tpu.memory_space<vmem>> -> memref<1x64xi32, #tpu.memory_space<vmem>>
      %dma_start3A_60 = tpu.memref_squeeze %dma_start3A_59 : memref<1x64xi32, #tpu.memory_space<vmem>> -> memref<64xi32, #tpu.memory_space<vmem>>
      %dma_start3A_61 = arith.constant 0 : i32
      %dma_start3A_62 = arith.constant 0 : i32
      %dma_start3A_63 = tpu.memref_slice %arg4[%dma_start3A_61, %dma_start3A_62] : memref<4096x768xf32, #tpu.memory_space<hbm>> -> memref<4096x768xf32, #tpu.memory_space<hbm>>
      tpu.enqueue_indirect_dma source(%arg7 : memref<64x768xf32, #tpu.memory_space<vmem>>) target(%dma_start3A_63 : memref<4096x768xf32, #tpu.memory_space<hbm>>) offsets(%dma_start3A_60 : memref<64xi32, #tpu.memory_space<vmem>>) semaphore(%arg9 : memref<!tpu.dma_semaphore, #tpu.memory_space<semaphore_mem>>)
      %dma_wait3A_64 = arith.constant 0 : i32
      %dma_wait3A_65 = arith.constant 64 : i32
      %dma_wait3A_66 = tpu.memref_slice %arg5[%dma_wait3A_64, %dma_wait3A_65] : memref<1x128xi32, #tpu.memory_space<vmem>> -> memref<1x64xi32, #tpu.memory_space<vmem>>
      %dma_wait3A_67 = tpu.memref_squeeze %dma_wait3A_66 : memref<1x64xi32, #tpu.memory_space<vmem>> -> memref<64xi32, #tpu.memory_space<vmem>>
      %dma_wait3A_68 = arith.constant 0 : i32
      %dma_wait3A_69 = arith.constant 0 : i32
      %dma_wait3A_70 = tpu.memref_slice %arg4[%dma_wait3A_68, %dma_wait3A_69] : memref<4096x768xf32, #tpu.memory_space<hbm>> -> memref<4096x768xf32, #tpu.memory_space<hbm>>
      tpu.wait_indirect_dma semaphore(%arg9 : memref<!tpu.dma_semaphore, #tpu.memory_space<semaphore_mem>>) src(%arg7 : memref<64x768xf32, #tpu.memory_space<vmem>>) dst(%dma_wait3A_70 : memref<4096x768xf32, #tpu.memory_space<hbm>>)
    } else {
    }
    %scan3A_10 = arith.constant 1 : i32
    return
  }
}

#map = affine_map<(d0, d1) -> (0, 0)>
module attributes {stable_mosaic.version = 14 : i64} {
  func.func @k(%arg0: i32, %arg1: i32, %arg2: memref<4096x768xf32, #tpu.memory_space<hbm>>, %arg3: memref<1x4096xi32, #tpu.memory_space<hbm>>, %arg4: memref<4096x768xf32, #tpu.memory_space<hbm>>, %arg5: memref<1x128xi32, #tpu.memory_space<vmem>>, %arg6: memref<64x768xf32, #tpu.memory_space<vmem>>, %arg7: memref<64x768xf32, #tpu.memory_space<vmem>>, %arg8: memref<!tpu.dma_semaphore, #tpu.memory_space<semaphore_mem>>, %arg9: memref<!tpu.dma_semaphore, #tpu.memory_space<semaphore_mem>>) attributes {dimension_semantics = [#tpu.dimension_semantics<core_parallel>, #tpu.dimension_semantics<subcore_parallel>], iteration_bounds = array<i64: 2, 16>, scalar_prefetch = 0 : i64, scratch_operands = 5 : i64, tpu.core_type = #tpu.core_type<sc_vector_subcore>, window_params = [{transform_indices = #map}, {transform_indices = #map}, {transform_indices = #map}]} {
    %mul3A = arith.constant 16 : i32
    %mul3A_0 = arith.muli %arg0, %mul3A : i32
    %add3A = arith.addi %mul3A_0, %arg1 : i32
    %scan3A = arith.constant 0 : i32
    %mul3A_1 = arith.constant 1 : i32
    %mul3A_2 = arith.muli %scan3A, %mul3A_1 : i32
    %add3A_3 = arith.constant 0 : i32
    %add3A_4 = arith.addi %add3A_3, %mul3A_2 : i32
    %mul3A_5 = arith.constant 32 : i32
    %mul3A_6 = arith.muli %add3A_4, %mul3A_5 : i32
    %add3A_7 = arith.addi %add3A, %mul3A_6 : i32
    %lt3A = arith.constant 32 : i32
    %lt3A_8 = arith.cmpi slt, %add3A_7, %lt3A : i32
    %convert_element_type3A = arith.extui %lt3A_8 : i1 to i32
    %cond3A = arith.constant 0 : i32
    %cond3A_9 = arith.cmpi ne, %convert_element_type3A, %cond3A : i32
    scf.if %cond3A_9 {
      %mul3A_11 = arith.constant 128 : i32
      %mul3A_12 = arith.muli %add3A_7, %mul3A_11 : i32
      %dma_start3A = arith.constant 0 : i32
      %dma_start3A_13 = tpu.memref_slice %arg3[%dma_start3A, %mul3A_12] : memref<1x4096xi32, #tpu.memory_space<hbm>> -> memref<1x128xi32, #tpu.memory_space<hbm>>
      %dma_start3A_14 = arith.constant 0 : i32
      %dma_start3A_15 = tpu.memref_slice %arg3[%dma_start3A_14, %mul3A_12] : memref<1x4096xi32, #tpu.memory_space<hbm>> -> memref<1x128xi32, #tpu.memory_space<hbm>>
      tpu.enqueue_dma source(%dma_start3A_15 : memref<1x128xi32, #tpu.memory_space<hbm>>) target(%arg5 : memref<1x128xi32, #tpu.memory_space<vmem>>) target_semaphore(%arg8 : memref<!tpu.dma_semaphore, #tpu.memory_space<semaphore_mem>>)
      %dma_wait3A = arith.constant 0 : i32
      %dma_wait3A_16 = tpu.memref_slice %arg3[%dma_wait3A, %mul3A_12] : memref<1x4096xi32, #tpu.memory_space<hbm>> -> memref<1x128xi32, #tpu.memory_space<hbm>>
      %dma_wait3A_17 = arith.constant 0 : i32
      %dma_wait3A_18 = tpu.memref_slice %arg3[%dma_wait3A_17, %mul3A_12] : memref<1x4096xi32, #tpu.memory_space<hbm>> -> memref<1x128xi32, #tpu.memory_space<hbm>>
      tpu.wait_dma2 semaphore(%arg8 : memref<!tpu.dma_semaphore, #tpu.memory_space<semaphore_mem>>) src(%dma_wait3A_18 : memref<1x128xi32, #tpu.memory_space<hbm>>) dst(%arg5 : memref<1x128xi32, #tpu.memory_space<vmem>>)
      %mul3A_19 = arith.constant 128 : i32
      %mul3A_20 = arith.muli %add3A_7, %mul3A_19 : i32
      %add3A_21 = arith.constant 0 : i32
      %add3A_22 = arith.addi %mul3A_20, %add3A_21 : i32
      %dma_start3A_23 = arith.constant 0 : i32
      %dma_start3A_24 = arith.constant 0 : i32
      %dma_start3A_25 = tpu.memref_slice %arg5[%dma_start3A_23, %dma_start3A_24] : memref<1x128xi32, #tpu.memory_space<vmem>> -> memref<1x64xi32, #tpu.memory_space<vmem>>
      %dma_start3A_26 = tpu.memref_squeeze %dma_start3A_25 : memref<1x64xi32, #tpu.memory_space<vmem>> -> memref<64xi32, #tpu.memory_space<vmem>>
      %dma_start3A_27 = arith.constant 0 : i32
      %dma_start3A_28 = arith.constant 0 : i32
      %dma_start3A_29 = tpu.memref_slice %arg2[%dma_start3A_27, %dma_start3A_28] : memref<4096x768xf32, #tpu.memory_space<hbm>> -> memref<4096x768xf32, #tpu.memory_space<hbm>>
      tpu.enqueue_indirect_dma source(%dma_start3A_29 : memref<4096x768xf32, #tpu.memory_space<hbm>>) target(%arg6 : memref<64x768xf32, #tpu.memory_space<vmem>>) offsets(%dma_start3A_26 : memref<64xi32, #tpu.memory_space<vmem>>) semaphore(%arg8 : memref<!tpu.dma_semaphore, #tpu.memory_space<semaphore_mem>>)
      %mul3A_30 = arith.constant 128 : i32
      %mul3A_31 = arith.muli %add3A_7, %mul3A_30 : i32
      %add3A_32 = arith.constant 64 : i32
      %add3A_33 = arith.addi %mul3A_31, %add3A_32 : i32
      %dma_start3A_34 = arith.constant 0 : i32
      %dma_start3A_35 = arith.constant 64 : i32
      %dma_start3A_36 = tpu.memref_slice %arg5[%dma_start3A_34, %dma_start3A_35] : memref<1x128xi32, #tpu.memory_space<vmem>> -> memref<1x64xi32, #tpu.memory_space<vmem>>
      %dma_start3A_37 = tpu.memref_squeeze %dma_start3A_36 : memref<1x64xi32, #tpu.memory_space<vmem>> -> memref<64xi32, #tpu.memory_space<vmem>>
      %dma_start3A_38 = arith.constant 0 : i32
      %dma_start3A_39 = arith.constant 0 : i32
      %dma_start3A_40 = tpu.memref_slice %arg2[%dma_start3A_38, %dma_start3A_39] : memref<4096x768xf32, #tpu.memory_space<hbm>> -> memref<4096x768xf32, #tpu.memory_space<hbm>>
      tpu.enqueue_indirect_dma source(%dma_start3A_40 : memref<4096x768xf32, #tpu.memory_space<hbm>>) target(%arg7 : memref<64x768xf32, #tpu.memory_space<vmem>>) offsets(%dma_start3A_37 : memref<64xi32, #tpu.memory_space<vmem>>) semaphore(%arg9 : memref<!tpu.dma_semaphore, #tpu.memory_space<semaphore_mem>>)
      %dma_wait3A_41 = arith.constant 0 : i32
      %dma_wait3A_42 = arith.constant 0 : i32
      %dma_wait3A_43 = tpu.memref_slice %arg5[%dma_wait3A_41, %dma_wait3A_42] : memref<1x128xi32, #tpu.memory_space<vmem>> -> memref<1x64xi32, #tpu.memory_space<vmem>>
      %dma_wait3A_44 = tpu.memref_squeeze %dma_wait3A_43 : memref<1x64xi32, #tpu.memory_space<vmem>> -> memref<64xi32, #tpu.memory_space<vmem>>
      %dma_wait3A_45 = arith.constant 0 : i32
      %dma_wait3A_46 = arith.constant 0 : i32
      %dma_wait3A_47 = tpu.memref_slice %arg2[%dma_wait3A_45, %dma_wait3A_46] : memref<4096x768xf32, #tpu.memory_space<hbm>> -> memref<4096x768xf32, #tpu.memory_space<hbm>>
      tpu.wait_indirect_dma semaphore(%arg8 : memref<!tpu.dma_semaphore, #tpu.memory_space<semaphore_mem>>) src(%dma_wait3A_47 : memref<4096x768xf32, #tpu.memory_space<hbm>>) dst(%arg6 : memref<64x768xf32, #tpu.memory_space<vmem>>)
      %dma_start3A_48 = arith.constant 0 : i32
      %dma_start3A_49 = tpu.memref_slice %arg4[%add3A_22, %dma_start3A_48] : memref<4096x768xf32, #tpu.memory_space<hbm>> -> memref<64x768xf32, #tpu.memory_space<hbm>>
      %dma_start3A_50 = arith.constant 0 : i32
      %dma_start3A_51 = tpu.memref_slice %arg4[%add3A_22, %dma_start3A_50] : memref<4096x768xf32, #tpu.memory_space<hbm>> -> memref<64x768xf32, #tpu.memory_space<hbm>>
      tpu.enqueue_dma source(%arg6 : memref<64x768xf32, #tpu.memory_space<vmem>>) target(%dma_start3A_51 : memref<64x768xf32, #tpu.memory_space<hbm>>) target_semaphore(%arg8 : memref<!tpu.dma_semaphore, #tpu.memory_space<semaphore_mem>>)
      %dma_wait3A_52 = arith.constant 0 : i32
      %dma_wait3A_53 = tpu.memref_slice %arg4[%add3A_22, %dma_wait3A_52] : memref<4096x768xf32, #tpu.memory_space<hbm>> -> memref<64x768xf32, #tpu.memory_space<hbm>>
      %dma_wait3A_54 = arith.constant 0 : i32
      %dma_wait3A_55 = tpu.memref_slice %arg4[%add3A_22, %dma_wait3A_54] : memref<4096x768xf32, #tpu.memory_space<hbm>> -> memref<64x768xf32, #tpu.memory_space<hbm>>
      tpu.wait_dma2 semaphore(%arg8 : memref<!tpu.dma_semaphore, #tpu.memory_space<semaphore_mem>>) src(%arg6 : memref<64x768xf32, #tpu.memory_space<vmem>>) dst(%dma_wait3A_55 : memref<64x768xf32, #tpu.memory_space<hbm>>)
      %dma_wait3A_56 = arith.constant 0 : i32
      %dma_wait3A_57 = arith.constant 64 : i32
      %dma_wait3A_58 = tpu.memref_slice %arg5[%dma_wait3A_56, %dma_wait3A_57] : memref<1x128xi32, #tpu.memory_space<vmem>> -> memref<1x64xi32, #tpu.memory_space<vmem>>
      %dma_wait3A_59 = tpu.memref_squeeze %dma_wait3A_58 : memref<1x64xi32, #tpu.memory_space<vmem>> -> memref<64xi32, #tpu.memory_space<vmem>>
      %dma_wait3A_60 = arith.constant 0 : i32
      %dma_wait3A_61 = arith.constant 0 : i32
      %dma_wait3A_62 = tpu.memref_slice %arg2[%dma_wait3A_60, %dma_wait3A_61] : memref<4096x768xf32, #tpu.memory_space<hbm>> -> memref<4096x768xf32, #tpu.memory_space<hbm>>
      tpu.wait_indirect_dma semaphore(%arg9 : memref<!tpu.dma_semaphore, #tpu.memory_space<semaphore_mem>>) src(%dma_wait3A_62 : memref<4096x768xf32, #tpu.memory_space<hbm>>) dst(%arg7 : memref<64x768xf32, #tpu.memory_space<vmem>>)
      %dma_start3A_63 = arith.constant 0 : i32
      %dma_start3A_64 = tpu.memref_slice %arg4[%add3A_33, %dma_start3A_63] : memref<4096x768xf32, #tpu.memory_space<hbm>> -> memref<64x768xf32, #tpu.memory_space<hbm>>
      %dma_start3A_65 = arith.constant 0 : i32
      %dma_start3A_66 = tpu.memref_slice %arg4[%add3A_33, %dma_start3A_65] : memref<4096x768xf32, #tpu.memory_space<hbm>> -> memref<64x768xf32, #tpu.memory_space<hbm>>
      tpu.enqueue_dma source(%arg7 : memref<64x768xf32, #tpu.memory_space<vmem>>) target(%dma_start3A_66 : memref<64x768xf32, #tpu.memory_space<hbm>>) target_semaphore(%arg9 : memref<!tpu.dma_semaphore, #tpu.memory_space<semaphore_mem>>)
      %dma_wait3A_67 = arith.constant 0 : i32
      %dma_wait3A_68 = tpu.memref_slice %arg4[%add3A_33, %dma_wait3A_67] : memref<4096x768xf32, #tpu.memory_space<hbm>> -> memref<64x768xf32, #tpu.memory_space<hbm>>
      %dma_wait3A_69 = arith.constant 0 : i32
      %dma_wait3A_70 = tpu.memref_slice %arg4[%add3A_33, %dma_wait3A_69] : memref<4096x768xf32, #tpu.memory_space<hbm>> -> memref<64x768xf32, #tpu.memory_space<hbm>>
      tpu.wait_dma2 semaphore(%arg9 : memref<!tpu.dma_semaphore, #tpu.memory_space<semaphore_mem>>) src(%arg7 : memref<64x768xf32, #tpu.memory_space<vmem>>) dst(%dma_wait3A_70 : memref<64x768xf32, #tpu.memory_space<hbm>>)
    } else {
    }
    %scan3A_10 = arith.constant 1 : i32
    return
  }
}

module attributes {stable_mosaic.version = 14 : i64} {
  func.func @_dispatch_body(%arg0: i32, %arg1: memref<4096x768xf32, #tpu.memory_space<vmem>>, %arg2: memref<16x768xf32, #tpu.memory_space<vmem>>, %arg3: memref<1x16xf32, #tpu.memory_space<vmem>>, %arg4: memref<4096x1xi32, #tpu.memory_space<vmem>>, %arg5: memref<16x1xi32, #tpu.memory_space<vmem>>, %arg6: memref<16x1xi32, #tpu.memory_space<vmem>>, %arg7: memref<16x1xi32, #tpu.memory_space<vmem>>, %arg8: memref<16x1xi32, #tpu.memory_space<vmem>>) attributes {dimension_semantics = [#tpu.dimension_semantics<arbitrary>], iteration_bounds = array<i64: 1>, scalar_prefetch = 0 : i64, scratch_operands = 0 : i64, tpu.core_type = #tpu.core_type<tc>, window_params = [{pipeline_mode = #tpu.pipeline_mode<synchronous>, transform_indices = @transform_0, window_bounds = array<i64: 4096, 768>}, {pipeline_mode = #tpu.pipeline_mode<synchronous>, transform_indices = @transform_1, window_bounds = array<i64: 16, 768>}, {pipeline_mode = #tpu.pipeline_mode<synchronous>, transform_indices = @transform_2, window_bounds = array<i64: 1, 16>}, {pipeline_mode = #tpu.pipeline_mode<synchronous>, transform_indices = @transform_3, window_bounds = array<i64: 4096, 1>}, {pipeline_mode = #tpu.pipeline_mode<synchronous>, transform_indices = @transform_4, window_bounds = array<i64: 16, 1>}, {pipeline_mode = #tpu.pipeline_mode<synchronous>, transform_indices = @transform_5, window_bounds = array<i64: 16, 1>}, {pipeline_mode = #tpu.pipeline_mode<synchronous>, transform_indices = @transform_6, window_bounds = array<i64: 16, 1>}, {pipeline_mode = #tpu.pipeline_mode<synchronous>, transform_indices = @transform_7, window_bounds = array<i64: 16, 1>}]} {
    %get3A = arith.constant 0 : index
    %get3A_0 = arith.constant 0 : index
    %get3A_1 = vector.load %arg1[%get3A, %get3A_0] : memref<4096x768xf32, #tpu.memory_space<vmem>>, vector<4096x768xf32>
    %get3A_2 = arith.constant 0 : index
    %get3A_3 = arith.constant 0 : index
    %get3A_4 = vector.load %arg2[%get3A_2, %get3A_3] : memref<16x768xf32, #tpu.memory_space<vmem>>, vector<16x768xf32>
    %dot_general3A = arith.constant dense<0.000000e+00> : vector<4096x16xf32>
    %dot_general3A_5 = tpu.matmul %get3A_1, %get3A_4, %dot_general3A {dimension_numbers = #tpu.dot_dimension_numbers<[1], [1], [0], [0], [0, 0, 1, 0], [], []>, transpose_lhs_hint = false} : vector<4096x768xf32>, vector<16x768xf32>, vector<4096x16xf32> -> vector<4096x16xf32>
    %get3A_6 = arith.constant 0 : index
    %get3A_7 = arith.constant 0 : index
    %get3A_8 = vector.load %arg3[%get3A_6, %get3A_7] : memref<1x16xf32, #tpu.memory_space<vmem>>, vector<1x16xf32>
    %add3A = vector.broadcast %get3A_8 : vector<1x16xf32> to vector<4096x16xf32>
    %add3A_9 = arith.addf %dot_general3A_5, %add3A : vector<4096x16xf32>
    %iota3A = tpu.iota {dimensions = array<i32: 1>} : vector<4096x16xi32>
    %reduce_max3A = arith.constant dense<0xFF800000> : vector<4096xf32>
    %reduce_max3A_10 = vector.multi_reduction <maximumf>, %add3A_9, %reduce_max3A [1] : vector<4096x16xf32> to vector<4096xf32>
    %broadcast_in_dim3A = vector.shape_cast %reduce_max3A_10 : vector<4096xf32> to vector<4096x1xf32>
    %eq3A = vector.broadcast %broadcast_in_dim3A : vector<4096x1xf32> to vector<4096x16xf32>
    %eq3A_11 = arith.cmpf oeq, %add3A_9, %eq3A : vector<4096x16xf32>
    %jit3A = arith.constant 16 : i32
    %broadcast_in_dim3A_12 = vector.broadcast %jit3A : i32 to vector<4096x16xi32>
    %select_n3A = arith.select %eq3A_11, %iota3A, %broadcast_in_dim3A_12 : vector<4096x16xi1>, vector<4096x16xi32>
    %reduce_min3A = arith.constant dense<2147483647> : vector<4096xi32>
    %reduce_min3A_13 = vector.multi_reduction <minsi>, %select_n3A, %reduce_min3A [1] : vector<4096x16xi32> to vector<4096xi32>
    %broadcast_in_dim3A_14 = vector.shape_cast %reduce_min3A_13 : vector<4096xi32> to vector<4096x1xi32>
    %eq3A_15 = vector.broadcast %broadcast_in_dim3A_14 : vector<4096x1xi32> to vector<4096x16xi32>
    %eq3A_16 = arith.cmpi eq, %eq3A_15, %iota3A : vector<4096x16xi32>
    %convert_element_type3A = arith.extui %eq3A_16 : vector<4096x16xi1> to vector<4096x16xi32>
    %reduce_sum3A = arith.constant dense<0> : vector<16xi32>
    %reduce_sum3A_17 = vector.multi_reduction <add>, %convert_element_type3A, %reduce_sum3A [0] : vector<4096x16xi32> to vector<16xi32>
    %broadcast_in_dim3A_18 = vector.shape_cast %reduce_sum3A_17 : vector<16xi32> to vector<1x16xi32>
    %broadcast_in_dim3A_19 = arith.constant 0 : i32
    %broadcast_in_dim3A_20 = vector.broadcast %broadcast_in_dim3A_19 : i32 to vector<1x1xi32>
    %slice3A = vector.extract_strided_slice %broadcast_in_dim3A_18 {offsets = [0, 0], sizes = [1, 15], strides = [1, 1]} : vector<1x16xi32> to vector<1x15xi32>
    %concatenate3A = tpu.concatenate %broadcast_in_dim3A_20, %slice3A in 1 : vector<1x1xi32>, vector<1x15xi32> -> vector<1x16xi32>
    %add3A_21 = arith.addi %broadcast_in_dim3A_18, %concatenate3A : vector<1x16xi32>
    %broadcast_in_dim3A_22 = arith.constant 0 : i32
    %broadcast_in_dim3A_23 = vector.broadcast %broadcast_in_dim3A_22 : i32 to vector<1x2xi32>
    %slice3A_24 = vector.extract_strided_slice %add3A_21 {offsets = [0, 0], sizes = [1, 14], strides = [1, 1]} : vector<1x16xi32> to vector<1x14xi32>
    %concatenate3A_25 = tpu.concatenate %broadcast_in_dim3A_23, %slice3A_24 in 1 : vector<1x2xi32>, vector<1x14xi32> -> vector<1x16xi32>
    %add3A_26 = arith.addi %add3A_21, %concatenate3A_25 : vector<1x16xi32>
    %broadcast_in_dim3A_27 = arith.constant 0 : i32
    %broadcast_in_dim3A_28 = vector.broadcast %broadcast_in_dim3A_27 : i32 to vector<1x4xi32>
    %slice3A_29 = vector.extract_strided_slice %add3A_26 {offsets = [0, 0], sizes = [1, 12], strides = [1, 1]} : vector<1x16xi32> to vector<1x12xi32>
    %concatenate3A_30 = tpu.concatenate %broadcast_in_dim3A_28, %slice3A_29 in 1 : vector<1x4xi32>, vector<1x12xi32> -> vector<1x16xi32>
    %add3A_31 = arith.addi %add3A_26, %concatenate3A_30 : vector<1x16xi32>
    %broadcast_in_dim3A_32 = arith.constant 0 : i32
    %broadcast_in_dim3A_33 = vector.broadcast %broadcast_in_dim3A_32 : i32 to vector<1x8xi32>
    %slice3A_34 = vector.extract_strided_slice %add3A_31 {offsets = [0, 0], sizes = [1, 8], strides = [1, 1]} : vector<1x16xi32> to vector<1x8xi32>
    %concatenate3A_35 = tpu.concatenate %broadcast_in_dim3A_33, %slice3A_34 in 1 : vector<1x8xi32>, vector<1x8xi32> -> vector<1x16xi32>
    %add3A_36 = arith.addi %add3A_31, %concatenate3A_35 : vector<1x16xi32>
    %sub3A = arith.subi %add3A_36, %broadcast_in_dim3A_18 : vector<1x16xi32>
    %broadcast_in_dim3A_37 = arith.constant 0 : i32
    %broadcast_in_dim3A_38 = vector.broadcast %broadcast_in_dim3A_37 : i32 to vector<1x16xi32>
    %slice3A_39 = vector.extract_strided_slice %convert_element_type3A {offsets = [0, 0], sizes = [4095, 16], strides = [1, 1]} : vector<4096x16xi32> to vector<4095x16xi32>
    %concatenate3A_40 = tpu.concatenate %broadcast_in_dim3A_38, %slice3A_39 in 0 : vector<1x16xi32>, vector<4095x16xi32> -> vector<4096x16xi32>
    %add3A_41 = arith.addi %convert_element_type3A, %concatenate3A_40 : vector<4096x16xi32>
    %broadcast_in_dim3A_42 = arith.constant 0 : i32
    %broadcast_in_dim3A_43 = vector.broadcast %broadcast_in_dim3A_42 : i32 to vector<2x16xi32>
    %slice3A_44 = vector.extract_strided_slice %add3A_41 {offsets = [0, 0], sizes = [4094, 16], strides = [1, 1]} : vector<4096x16xi32> to vector<4094x16xi32>
    %concatenate3A_45 = tpu.concatenate %broadcast_in_dim3A_43, %slice3A_44 in 0 : vector<2x16xi32>, vector<4094x16xi32> -> vector<4096x16xi32>
    %add3A_46 = arith.addi %add3A_41, %concatenate3A_45 : vector<4096x16xi32>
    %broadcast_in_dim3A_47 = arith.constant 0 : i32
    %broadcast_in_dim3A_48 = vector.broadcast %broadcast_in_dim3A_47 : i32 to vector<4x16xi32>
    %slice3A_49 = vector.extract_strided_slice %add3A_46 {offsets = [0, 0], sizes = [4092, 16], strides = [1, 1]} : vector<4096x16xi32> to vector<4092x16xi32>
    %concatenate3A_50 = tpu.concatenate %broadcast_in_dim3A_48, %slice3A_49 in 0 : vector<4x16xi32>, vector<4092x16xi32> -> vector<4096x16xi32>
    %add3A_51 = arith.addi %add3A_46, %concatenate3A_50 : vector<4096x16xi32>
    %broadcast_in_dim3A_52 = arith.constant 0 : i32
    %broadcast_in_dim3A_53 = vector.broadcast %broadcast_in_dim3A_52 : i32 to vector<8x16xi32>
    %slice3A_54 = vector.extract_strided_slice %add3A_51 {offsets = [0, 0], sizes = [4088, 16], strides = [1, 1]} : vector<4096x16xi32> to vector<4088x16xi32>
    %concatenate3A_55 = tpu.concatenate %broadcast_in_dim3A_53, %slice3A_54 in 0 : vector<8x16xi32>, vector<4088x16xi32> -> vector<4096x16xi32>
    %add3A_56 = arith.addi %add3A_51, %concatenate3A_55 : vector<4096x16xi32>
    %broadcast_in_dim3A_57 = arith.constant 0 : i32
    %broadcast_in_dim3A_58 = vector.broadcast %broadcast_in_dim3A_57 : i32 to vector<16x16xi32>
    %slice3A_59 = vector.extract_strided_slice %add3A_56 {offsets = [0, 0], sizes = [4080, 16], strides = [1, 1]} : vector<4096x16xi32> to vector<4080x16xi32>
    %concatenate3A_60 = tpu.concatenate %broadcast_in_dim3A_58, %slice3A_59 in 0 : vector<16x16xi32>, vector<4080x16xi32> -> vector<4096x16xi32>
    %add3A_61 = arith.addi %add3A_56, %concatenate3A_60 : vector<4096x16xi32>
    %broadcast_in_dim3A_62 = arith.constant 0 : i32
    %broadcast_in_dim3A_63 = vector.broadcast %broadcast_in_dim3A_62 : i32 to vector<32x16xi32>
    %slice3A_64 = vector.extract_strided_slice %add3A_61 {offsets = [0, 0], sizes = [4064, 16], strides = [1, 1]} : vector<4096x16xi32> to vector<4064x16xi32>
    %concatenate3A_65 = tpu.concatenate %broadcast_in_dim3A_63, %slice3A_64 in 0 : vector<32x16xi32>, vector<4064x16xi32> -> vector<4096x16xi32>
    %add3A_66 = arith.addi %add3A_61, %concatenate3A_65 : vector<4096x16xi32>
    %broadcast_in_dim3A_67 = arith.constant 0 : i32
    %broadcast_in_dim3A_68 = vector.broadcast %broadcast_in_dim3A_67 : i32 to vector<64x16xi32>
    %slice3A_69 = vector.extract_strided_slice %add3A_66 {offsets = [0, 0], sizes = [4032, 16], strides = [1, 1]} : vector<4096x16xi32> to vector<4032x16xi32>
    %concatenate3A_70 = tpu.concatenate %broadcast_in_dim3A_68, %slice3A_69 in 0 : vector<64x16xi32>, vector<4032x16xi32> -> vector<4096x16xi32>
    %add3A_71 = arith.addi %add3A_66, %concatenate3A_70 : vector<4096x16xi32>
    %broadcast_in_dim3A_72 = arith.constant 0 : i32
    %broadcast_in_dim3A_73 = vector.broadcast %broadcast_in_dim3A_72 : i32 to vector<128x16xi32>
    %slice3A_74 = vector.extract_strided_slice %add3A_71 {offsets = [0, 0], sizes = [3968, 16], strides = [1, 1]} : vector<4096x16xi32> to vector<3968x16xi32>
    %concatenate3A_75 = tpu.concatenate %broadcast_in_dim3A_73, %slice3A_74 in 0 : vector<128x16xi32>, vector<3968x16xi32> -> vector<4096x16xi32>
    %add3A_76 = arith.addi %add3A_71, %concatenate3A_75 : vector<4096x16xi32>
    %broadcast_in_dim3A_77 = arith.constant 0 : i32
    %broadcast_in_dim3A_78 = vector.broadcast %broadcast_in_dim3A_77 : i32 to vector<256x16xi32>
    %slice3A_79 = vector.extract_strided_slice %add3A_76 {offsets = [0, 0], sizes = [3840, 16], strides = [1, 1]} : vector<4096x16xi32> to vector<3840x16xi32>
    %concatenate3A_80 = tpu.concatenate %broadcast_in_dim3A_78, %slice3A_79 in 0 : vector<256x16xi32>, vector<3840x16xi32> -> vector<4096x16xi32>
    %add3A_81 = arith.addi %add3A_76, %concatenate3A_80 : vector<4096x16xi32>
    %broadcast_in_dim3A_82 = arith.constant 0 : i32
    %broadcast_in_dim3A_83 = vector.broadcast %broadcast_in_dim3A_82 : i32 to vector<512x16xi32>
    %slice3A_84 = vector.extract_strided_slice %add3A_81 {offsets = [0, 0], sizes = [3584, 16], strides = [1, 1]} : vector<4096x16xi32> to vector<3584x16xi32>
    %concatenate3A_85 = tpu.concatenate %broadcast_in_dim3A_83, %slice3A_84 in 0 : vector<512x16xi32>, vector<3584x16xi32> -> vector<4096x16xi32>
    %add3A_86 = arith.addi %add3A_81, %concatenate3A_85 : vector<4096x16xi32>
    %broadcast_in_dim3A_87 = arith.constant 0 : i32
    %broadcast_in_dim3A_88 = vector.broadcast %broadcast_in_dim3A_87 : i32 to vector<1024x16xi32>
    %slice3A_89 = vector.extract_strided_slice %add3A_86 {offsets = [0, 0], sizes = [3072, 16], strides = [1, 1]} : vector<4096x16xi32> to vector<3072x16xi32>
    %concatenate3A_90 = tpu.concatenate %broadcast_in_dim3A_88, %slice3A_89 in 0 : vector<1024x16xi32>, vector<3072x16xi32> -> vector<4096x16xi32>
    %add3A_91 = arith.addi %add3A_86, %concatenate3A_90 : vector<4096x16xi32>
    %broadcast_in_dim3A_92 = arith.constant 0 : i32
    %broadcast_in_dim3A_93 = vector.broadcast %broadcast_in_dim3A_92 : i32 to vector<2048x16xi32>
    %slice3A_94 = vector.extract_strided_slice %add3A_91 {offsets = [0, 0], sizes = [2048, 16], strides = [1, 1]} : vector<4096x16xi32> to vector<2048x16xi32>
    %concatenate3A_95 = tpu.concatenate %broadcast_in_dim3A_93, %slice3A_94 in 0 : vector<2048x16xi32>, vector<2048x16xi32> -> vector<4096x16xi32>
    %add3A_96 = arith.addi %add3A_91, %concatenate3A_95 : vector<4096x16xi32>
    %sub3A_97 = arith.subi %add3A_96, %convert_element_type3A : vector<4096x16xi32>
    %add3A_98 = vector.broadcast %sub3A : vector<1x16xi32> to vector<4096x16xi32>
    %add3A_99 = arith.addi %add3A_98, %sub3A_97 : vector<4096x16xi32>
    %mul3A = arith.muli %convert_element_type3A, %add3A_99 : vector<4096x16xi32>
    %reduce_sum3A_100 = arith.constant dense<0> : vector<4096xi32>
    %reduce_sum3A_101 = vector.multi_reduction <add>, %mul3A, %reduce_sum3A_100 [1] : vector<4096x16xi32> to vector<4096xi32>
    %broadcast_in_dim3A_102 = vector.shape_cast %reduce_sum3A_101 : vector<4096xi32> to vector<4096x1xi32>
    %swap3A = arith.constant 0 : index
    %swap3A_103 = arith.constant 0 : index
    %swap3A_104 = vector.load %arg4[%swap3A, %swap3A_103] : memref<4096x1xi32, #tpu.memory_space<vmem>>, vector<4096x1xi32>
    tpu.vector_store %arg4[%swap3A, %swap3A_103], %broadcast_in_dim3A_102 {strides = array<i32>} : memref<4096x1xi32, #tpu.memory_space<vmem>>, vector<4096x1xi32>,
    %jit3A_105 = arith.constant 256 : i32
    %div3A = vector.broadcast %jit3A_105 : i32 to vector<1x16xi32>
    %div3A_106 = arith.divsi %sub3A, %div3A : vector<1x16xi32>
    %sign3A = arith.constant 0 : i32
    %sign3A_107 = vector.broadcast %sign3A : i32 to vector<1x16xi32>
    %sign3A_108 = arith.cmpi sgt, %sub3A, %sign3A_107 : vector<1x16xi32>
    %sign3A_109 = arith.extui %sign3A_108 : vector<1x16xi1> to vector<1x16xi32>
    %sign3A_110 = arith.constant 0 : i32
    %sign3A_111 = vector.broadcast %sign3A_110 : i32 to vector<1x16xi32>
    %sign3A_112 = arith.cmpi slt, %sub3A, %sign3A_111 : vector<1x16xi32>
    %sign3A_113 = arith.extui %sign3A_112 : vector<1x16xi1> to vector<1x16xi32>
    %sign3A_114 = arith.subi %sign3A_109, %sign3A_113 : vector<1x16xi32>
    %sign3A_115 = arith.constant 0 : i32
    %sign3A_116 = arith.cmpi sgt, %jit3A_105, %sign3A_115 : i32
    %sign3A_117 = arith.extui %sign3A_116 : i1 to i32
    %sign3A_118 = arith.constant 0 : i32
    %sign3A_119 = arith.cmpi slt, %jit3A_105, %sign3A_118 : i32
    %sign3A_120 = arith.extui %sign3A_119 : i1 to i32
    %sign3A_121 = arith.subi %sign3A_117, %sign3A_120 : i32
    %ne3A = vector.broadcast %sign3A_121 : i32 to vector<1x16xi32>
    %ne3A_122 = arith.cmpi ne, %sign3A_114, %ne3A : vector<1x16xi32>
    %rem3A = vector.broadcast %jit3A_105 : i32 to vector<1x16xi32>
    %rem3A_123 = arith.remsi %sub3A, %rem3A : vector<1x16xi32>
    %ne3A_124 = arith.constant 0 : i32
    %ne3A_125 = vector.broadcast %ne3A_124 : i32 to vector<1x16xi32>
    %ne3A_126 = arith.cmpi ne, %rem3A_123, %ne3A_125 : vector<1x16xi32>
    %and3A = arith.andi %ne3A_122, %ne3A_126 : vector<1x16xi1>
    %sub3A_127 = arith.constant 1 : i32
    %sub3A_128 = vector.broadcast %sub3A_127 : i32 to vector<1x16xi32>
    %sub3A_129 = arith.subi %div3A_106, %sub3A_128 : vector<1x16xi32>
    %select_n3A_130 = arith.select %and3A, %sub3A_129, %div3A_106 : vector<1x16xi1>, vector<1x16xi32>
    %sub3A_131 = arith.constant 1 : i32
    %sub3A_132 = vector.broadcast %sub3A_131 : i32 to vector<1x16xi32>
    %sub3A_133 = arith.subi %add3A_36, %sub3A_132 : vector<1x16xi32>
    %jit3A_134 = arith.constant 256 : i32
    %div3A_135 = vector.broadcast %jit3A_134 : i32 to vector<1x16xi32>
    %div3A_136 = arith.divsi %sub3A_133, %div3A_135 : vector<1x16xi32>
    %sign3A_137 = arith.constant 0 : i32
    %sign3A_138 = vector.broadcast %sign3A_137 : i32 to vector<1x16xi32>
    %sign3A_139 = arith.cmpi sgt, %sub3A_133, %sign3A_138 : vector<1x16xi32>
    %sign3A_140 = arith.extui %sign3A_139 : vector<1x16xi1> to vector<1x16xi32>
    %sign3A_141 = arith.constant 0 : i32
    %sign3A_142 = vector.broadcast %sign3A_141 : i32 to vector<1x16xi32>
    %sign3A_143 = arith.cmpi slt, %sub3A_133, %sign3A_142 : vector<1x16xi32>
    %sign3A_144 = arith.extui %sign3A_143 : vector<1x16xi1> to vector<1x16xi32>
    %sign3A_145 = arith.subi %sign3A_140, %sign3A_144 : vector<1x16xi32>
    %sign3A_146 = arith.constant 0 : i32
    %sign3A_147 = arith.cmpi sgt, %jit3A_134, %sign3A_146 : i32
    %sign3A_148 = arith.extui %sign3A_147 : i1 to i32
    %sign3A_149 = arith.constant 0 : i32
    %sign3A_150 = arith.cmpi slt, %jit3A_134, %sign3A_149 : i32
    %sign3A_151 = arith.extui %sign3A_150 : i1 to i32
    %sign3A_152 = arith.subi %sign3A_148, %sign3A_151 : i32
    %ne3A_153 = vector.broadcast %sign3A_152 : i32 to vector<1x16xi32>
    %ne3A_154 = arith.cmpi ne, %sign3A_145, %ne3A_153 : vector<1x16xi32>
    %rem3A_155 = vector.broadcast %jit3A_134 : i32 to vector<1x16xi32>
    %rem3A_156 = arith.remsi %sub3A_133, %rem3A_155 : vector<1x16xi32>
    %ne3A_157 = arith.constant 0 : i32
    %ne3A_158 = vector.broadcast %ne3A_157 : i32 to vector<1x16xi32>
    %ne3A_159 = arith.cmpi ne, %rem3A_156, %ne3A_158 : vector<1x16xi32>
    %and3A_160 = arith.andi %ne3A_154, %ne3A_159 : vector<1x16xi1>
    %sub3A_161 = arith.constant 1 : i32
    %sub3A_162 = vector.broadcast %sub3A_161 : i32 to vector<1x16xi32>
    %sub3A_163 = arith.subi %div3A_136, %sub3A_162 : vector<1x16xi32>
    %select_n3A_164 = arith.select %and3A_160, %sub3A_163, %div3A_136 : vector<1x16xi1>, vector<1x16xi32>
    %eq3A_165 = arith.constant 0 : i32
    %eq3A_166 = vector.broadcast %eq3A_165 : i32 to vector<1x16xi32>
    %eq3A_167 = arith.cmpi eq, %broadcast_in_dim3A_18, %eq3A_166 : vector<1x16xi32>
    %jit3A_168 = arith.constant 0 : i32
    %broadcast_in_dim3A_169 = vector.broadcast %jit3A_168 : i32 to vector<1x16xi32>
    %select_n3A_170 = arith.select %eq3A_167, %broadcast_in_dim3A_169, %select_n3A_130 : vector<1x16xi1>, vector<1x16xi32>
    %reshape3A = vector.shape_cast %select_n3A_170 : vector<1x16xi32> to vector<16x1xi32>
    %swap3A_171 = arith.constant 0 : index
    %swap3A_172 = arith.constant 0 : index
    %swap3A_173 = vector.load %arg5[%swap3A_171, %swap3A_172] : memref<16x1xi32, #tpu.memory_space<vmem>>, vector<16x1xi32>
    tpu.vector_store %arg5[%swap3A_171, %swap3A_172], %reshape3A {strides = array<i32>} : memref<16x1xi32, #tpu.memory_space<vmem>>, vector<16x1xi32>,
    %add3A_174 = arith.constant 1 : i32
    %add3A_175 = vector.broadcast %add3A_174 : i32 to vector<1x16xi32>
    %add3A_176 = arith.addi %select_n3A_164, %add3A_175 : vector<1x16xi32>
    %jit3A_177 = arith.constant 0 : i32
    %broadcast_in_dim3A_178 = vector.broadcast %jit3A_177 : i32 to vector<1x16xi32>
    %select_n3A_179 = arith.select %eq3A_167, %broadcast_in_dim3A_178, %add3A_176 : vector<1x16xi1>, vector<1x16xi32>
    %reshape3A_180 = vector.shape_cast %select_n3A_179 : vector<1x16xi32> to vector<16x1xi32>
    %swap3A_181 = arith.constant 0 : index
    %swap3A_182 = arith.constant 0 : index
    %swap3A_183 = vector.load %arg6[%swap3A_181, %swap3A_182] : memref<16x1xi32, #tpu.memory_space<vmem>>, vector<16x1xi32>
    tpu.vector_store %arg6[%swap3A_181, %swap3A_182], %reshape3A_180 {strides = array<i32>} : memref<16x1xi32, #tpu.memory_space<vmem>>, vector<16x1xi32>,
    %reshape3A_184 = vector.shape_cast %sub3A : vector<1x16xi32> to vector<16x1xi32>
    %swap3A_185 = arith.constant 0 : index
    %swap3A_186 = arith.constant 0 : index
    %swap3A_187 = vector.load %arg7[%swap3A_185, %swap3A_186] : memref<16x1xi32, #tpu.memory_space<vmem>>, vector<16x1xi32>
    tpu.vector_store %arg7[%swap3A_185, %swap3A_186], %reshape3A_184 {strides = array<i32>} : memref<16x1xi32, #tpu.memory_space<vmem>>, vector<16x1xi32>,
    %reshape3A_188 = vector.shape_cast %add3A_36 : vector<1x16xi32> to vector<16x1xi32>
    %swap3A_189 = arith.constant 0 : index
    %swap3A_190 = arith.constant 0 : index
    %swap3A_191 = vector.load %arg8[%swap3A_189, %swap3A_190] : memref<16x1xi32, #tpu.memory_space<vmem>>, vector<16x1xi32>
    tpu.vector_store %arg8[%swap3A_189, %swap3A_190], %reshape3A_188 {strides = array<i32>} : memref<16x1xi32, #tpu.memory_space<vmem>>, vector<16x1xi32>,
    return
  }
  func.func @transform_0(%arg0: i32) -> (i32, i32) {
    %c0_i32 = arith.constant 0 : i32
    %c0_i32_0 = arith.constant 0 : i32
    %c0_i32_1 = arith.constant 0 : i32
    return %c0_i32, %c0_i32_0 : i32, i32
  }
  func.func @transform_1(%arg0: i32) -> (i32, i32) {
    %c0_i32 = arith.constant 0 : i32
    %c0_i32_0 = arith.constant 0 : i32
    %c0_i32_1 = arith.constant 0 : i32
    return %c0_i32, %c0_i32_0 : i32, i32
  }
  func.func @transform_2(%arg0: i32) -> (i32, i32) {
    %c0_i32 = arith.constant 0 : i32
    %c0_i32_0 = arith.constant 0 : i32
    %c0_i32_1 = arith.constant 0 : i32
    return %c0_i32, %c0_i32_0 : i32, i32
  }
  func.func @transform_3(%arg0: i32) -> (i32, i32) {
    %c0_i32 = arith.constant 0 : i32
    %c0_i32_0 = arith.constant 0 : i32
    %c0_i32_1 = arith.constant 0 : i32
    return %c0_i32, %c0_i32_0 : i32, i32
  }
  func.func @transform_4(%arg0: i32) -> (i32, i32) {
    %c0_i32 = arith.constant 0 : i32
    %c0_i32_0 = arith.constant 0 : i32
    %c0_i32_1 = arith.constant 0 : i32
    return %c0_i32, %c0_i32_0 : i32, i32
  }
  func.func @transform_5(%arg0: i32) -> (i32, i32) {
    %c0_i32 = arith.constant 0 : i32
    %c0_i32_0 = arith.constant 0 : i32
    %c0_i32_1 = arith.constant 0 : i32
    return %c0_i32, %c0_i32_0 : i32, i32
  }
  func.func @transform_6(%arg0: i32) -> (i32, i32) {
    %c0_i32 = arith.constant 0 : i32
    %c0_i32_0 = arith.constant 0 : i32
    %c0_i32_1 = arith.constant 0 : i32
    return %c0_i32, %c0_i32_0 : i32, i32
  }
  func.func @transform_7(%arg0: i32) -> (i32, i32) {
    %c0_i32 = arith.constant 0 : i32
    %c0_i32_0 = arith.constant 0 : i32
    %c0_i32_1 = arith.constant 0 : i32
    return %c0_i32, %c0_i32_0 : i32, i32
  }
}

module attributes {stable_mosaic.version = 14 : i64} {
  func.func @_ffn_body(%arg0: i32, %arg1: memref<16xi32, #tpu.memory_space<smem>>, %arg2: memref<16xi32, #tpu.memory_space<smem>>, %arg3: memref<16xi32, #tpu.memory_space<smem>>, %arg4: memref<16xi32, #tpu.memory_space<smem>>, %arg5: memref<4096x768xf32, #tpu.memory_space<vmem>>, %arg6: memref<16x3072x768xf32, #tpu.memory_space<hbm>>, %arg7: memref<16x1x3072xf32, #tpu.memory_space<vmem>>, %arg8: memref<16x768x3072xf32, #tpu.memory_space<hbm>>, %arg9: memref<16x1x768xf32, #tpu.memory_space<vmem>>, %arg10: memref<4096x768xf32, #tpu.memory_space<vmem>>, %arg11: memref<3x1536x768xf32, #tpu.memory_space<vmem>>, %arg12: memref<3x768x1536xf32, #tpu.memory_space<vmem>>, %arg13: memref<3x!tpu.dma_semaphore, #tpu.memory_space<semaphore_mem>>, %arg14: memref<3x!tpu.dma_semaphore, #tpu.memory_space<semaphore_mem>>) attributes {dimension_semantics = [#tpu.dimension_semantics<arbitrary>], iteration_bounds = array<i64: 1>, scalar_prefetch = 4 : i64, scratch_operands = 4 : i64, tpu.core_type = #tpu.core_type<tc>, window_params = [{pipeline_mode = #tpu.pipeline_mode<synchronous>, transform_indices = @transform_0, window_bounds = array<i64: 4096, 768>}, {}, {pipeline_mode = #tpu.pipeline_mode<synchronous>, transform_indices = @transform_2, window_bounds = array<i64: 16, 1, 3072>}, {}, {pipeline_mode = #tpu.pipeline_mode<synchronous>, transform_indices = @transform_4, window_bounds = array<i64: 16, 1, 768>}, {pipeline_mode = #tpu.pipeline_mode<synchronous>, transform_indices = @transform_5, window_bounds = array<i64: 4096, 768>}]} {
    %dma_start3A = arith.constant 0 : i32
    %dma_start3A_0 = arith.constant 0 : i32
    %dma_start3A_1 = arith.constant 0 : i32
    %dma_start3A_2 = tpu.memref_slice %arg13[%dma_start3A_1] : memref<3x!tpu.dma_semaphore, #tpu.memory_space<semaphore_mem>> -> memref<1x!tpu.dma_semaphore, #tpu.memory_space<semaphore_mem>>
    %dma_start3A_3 = tpu.memref_squeeze %dma_start3A_2 : memref<1x!tpu.dma_semaphore, #tpu.memory_space<semaphore_mem>> -> memref<!tpu.dma_semaphore, #tpu.memory_space<semaphore_mem>>
    %dma_start3A_4 = arith.constant 0 : i32
    %dma_start3A_5 = arith.constant 0 : i32
    %dma_start3A_6 = tpu.memref_slice %arg11[%dma_start3A_0, %dma_start3A_4, %dma_start3A_5] : memref<3x1536x768xf32, #tpu.memory_space<vmem>> -> memref<1x1536x768xf32, #tpu.memory_space<vmem>>
    %dma_start3A_7 = tpu.memref_squeeze %dma_start3A_6 : memref<1x1536x768xf32, #tpu.memory_space<vmem>> -> memref<1536x768xf32, #tpu.memory_space<vmem>>
    %dma_start3A_8 = arith.constant 0 : i32
    %dma_start3A_9 = arith.constant 0 : i32
    %dma_start3A_10 = tpu.memref_slice %arg6[%dma_start3A, %dma_start3A_8, %dma_start3A_9] : memref<16x3072x768xf32, #tpu.memory_space<hbm>> -> memref<1x1536x768xf32, #tpu.memory_space<hbm>>
    %dma_start3A_11 = tpu.memref_squeeze %dma_start3A_10 : memref<1x1536x768xf32, #tpu.memory_space<hbm>> -> memref<1536x768xf32, #tpu.memory_space<hbm>>
    tpu.enqueue_dma source(%dma_start3A_11 : memref<1536x768xf32, #tpu.memory_space<hbm>>) target(%dma_start3A_7 : memref<1536x768xf32, #tpu.memory_space<vmem>>) target_semaphore(%dma_start3A_3 : memref<!tpu.dma_semaphore, #tpu.memory_space<semaphore_mem>>)
    %dma_start3A_12 = arith.constant 0 : i32
    %dma_start3A_13 = arith.constant 0 : i32
    %dma_start3A_14 = arith.constant 0 : i32
    %dma_start3A_15 = tpu.memref_slice %arg14[%dma_start3A_14] : memref<3x!tpu.dma_semaphore, #tpu.memory_space<semaphore_mem>> -> memref<1x!tpu.dma_semaphore, #tpu.memory_space<semaphore_mem>>
    %dma_start3A_16 = tpu.memref_squeeze %dma_start3A_15 : memref<1x!tpu.dma_semaphore, #tpu.memory_space<semaphore_mem>> -> memref<!tpu.dma_semaphore, #tpu.memory_space<semaphore_mem>>
    %dma_start3A_17 = arith.constant 0 : i32
    %dma_start3A_18 = arith.constant 0 : i32
    %dma_start3A_19 = tpu.memref_slice %arg12[%dma_start3A_13, %dma_start3A_17, %dma_start3A_18] : memref<3x768x1536xf32, #tpu.memory_space<vmem>> -> memref<1x768x1536xf32, #tpu.memory_space<vmem>>
    %dma_start3A_20 = tpu.memref_squeeze %dma_start3A_19 : memref<1x768x1536xf32, #tpu.memory_space<vmem>> -> memref<768x1536xf32, #tpu.memory_space<vmem>>
    %dma_start3A_21 = arith.constant 0 : i32
    %dma_start3A_22 = arith.constant 0 : i32
    %dma_start3A_23 = tpu.memref_slice %arg8[%dma_start3A_12, %dma_start3A_21, %dma_start3A_22] : memref<16x768x3072xf32, #tpu.memory_space<hbm>> -> memref<1x768x1536xf32, #tpu.memory_space<hbm>>
    %dma_start3A_24 = tpu.memref_squeeze %dma_start3A_23 : memref<1x768x1536xf32, #tpu.memory_space<hbm>> -> memref<768x1536xf32, #tpu.memory_space<hbm>>
    tpu.enqueue_dma source(%dma_start3A_24 : memref<768x1536xf32, #tpu.memory_space<hbm>>) target(%dma_start3A_20 : memref<768x1536xf32, #tpu.memory_space<vmem>>) target_semaphore(%dma_start3A_16 : memref<!tpu.dma_semaphore, #tpu.memory_space<semaphore_mem>>)
    %dma_start3A_25 = arith.constant 0 : i32
    %dma_start3A_26 = arith.constant 1 : i32
    %dma_start3A_27 = arith.constant 1 : i32
    %dma_start3A_28 = tpu.memref_slice %arg13[%dma_start3A_27] : memref<3x!tpu.dma_semaphore, #tpu.memory_space<semaphore_mem>> -> memref<1x!tpu.dma_semaphore, #tpu.memory_space<semaphore_mem>>
    %dma_start3A_29 = tpu.memref_squeeze %dma_start3A_28 : memref<1x!tpu.dma_semaphore, #tpu.memory_space<semaphore_mem>> -> memref<!tpu.dma_semaphore, #tpu.memory_space<semaphore_mem>>
    %dma_start3A_30 = arith.constant 0 : i32
    %dma_start3A_31 = arith.constant 0 : i32
    %dma_start3A_32 = tpu.memref_slice %arg11[%dma_start3A_26, %dma_start3A_30, %dma_start3A_31] : memref<3x1536x768xf32, #tpu.memory_space<vmem>> -> memref<1x1536x768xf32, #tpu.memory_space<vmem>>
    %dma_start3A_33 = tpu.memref_squeeze %dma_start3A_32 : memref<1x1536x768xf32, #tpu.memory_space<vmem>> -> memref<1536x768xf32, #tpu.memory_space<vmem>>
    %dma_start3A_34 = arith.constant 1536 : i32
    %dma_start3A_35 = arith.constant 0 : i32
    %dma_start3A_36 = tpu.memref_slice %arg6[%dma_start3A_25, %dma_start3A_34, %dma_start3A_35] : memref<16x3072x768xf32, #tpu.memory_space<hbm>> -> memref<1x1536x768xf32, #tpu.memory_space<hbm>>
    %dma_start3A_37 = tpu.memref_squeeze %dma_start3A_36 : memref<1x1536x768xf32, #tpu.memory_space<hbm>> -> memref<1536x768xf32, #tpu.memory_space<hbm>>
    tpu.enqueue_dma source(%dma_start3A_37 : memref<1536x768xf32, #tpu.memory_space<hbm>>) target(%dma_start3A_33 : memref<1536x768xf32, #tpu.memory_space<vmem>>) target_semaphore(%dma_start3A_29 : memref<!tpu.dma_semaphore, #tpu.memory_space<semaphore_mem>>)
    %dma_start3A_38 = arith.constant 0 : i32
    %dma_start3A_39 = arith.constant 1 : i32
    %dma_start3A_40 = arith.constant 1 : i32
    %dma_start3A_41 = tpu.memref_slice %arg14[%dma_start3A_40] : memref<3x!tpu.dma_semaphore, #tpu.memory_space<semaphore_mem>> -> memref<1x!tpu.dma_semaphore, #tpu.memory_space<semaphore_mem>>
    %dma_start3A_42 = tpu.memref_squeeze %dma_start3A_41 : memref<1x!tpu.dma_semaphore, #tpu.memory_space<semaphore_mem>> -> memref<!tpu.dma_semaphore, #tpu.memory_space<semaphore_mem>>
    %dma_start3A_43 = arith.constant 0 : i32
    %dma_start3A_44 = arith.constant 0 : i32
    %dma_start3A_45 = tpu.memref_slice %arg12[%dma_start3A_39, %dma_start3A_43, %dma_start3A_44] : memref<3x768x1536xf32, #tpu.memory_space<vmem>> -> memref<1x768x1536xf32, #tpu.memory_space<vmem>>
    %dma_start3A_46 = tpu.memref_squeeze %dma_start3A_45 : memref<1x768x1536xf32, #tpu.memory_space<vmem>> -> memref<768x1536xf32, #tpu.memory_space<vmem>>
    %dma_start3A_47 = arith.constant 0 : i32
    %dma_start3A_48 = arith.constant 1536 : i32
    %dma_start3A_49 = tpu.memref_slice %arg8[%dma_start3A_38, %dma_start3A_47, %dma_start3A_48] : memref<16x768x3072xf32, #tpu.memory_space<hbm>> -> memref<1x768x1536xf32, #tpu.memory_space<hbm>>
    %dma_start3A_50 = tpu.memref_squeeze %dma_start3A_49 : memref<1x768x1536xf32, #tpu.memory_space<hbm>> -> memref<768x1536xf32, #tpu.memory_space<hbm>>
    tpu.enqueue_dma source(%dma_start3A_50 : memref<768x1536xf32, #tpu.memory_space<hbm>>) target(%dma_start3A_46 : memref<768x1536xf32, #tpu.memory_space<vmem>>) target_semaphore(%dma_start3A_42 : memref<!tpu.dma_semaphore, #tpu.memory_space<semaphore_mem>>)
    %dma_start3A_51 = arith.constant 1 : i32
    %dma_start3A_52 = arith.constant 2 : i32
    %dma_start3A_53 = arith.constant 2 : i32
    %dma_start3A_54 = tpu.memref_slice %arg13[%dma_start3A_53] : memref<3x!tpu.dma_semaphore, #tpu.memory_space<semaphore_mem>> -> memref<1x!tpu.dma_semaphore, #tpu.memory_space<semaphore_mem>>
    %dma_start3A_55 = tpu.memref_squeeze %dma_start3A_54 : memref<1x!tpu.dma_semaphore, #tpu.memory_space<semaphore_mem>> -> memref<!tpu.dma_semaphore, #tpu.memory_space<semaphore_mem>>
    %dma_start3A_56 = arith.constant 0 : i32
    %dma_start3A_57 = arith.constant 0 : i32
    %dma_start3A_58 = tpu.memref_slice %arg11[%dma_start3A_52, %dma_start3A_56, %dma_start3A_57] : memref<3x1536x768xf32, #tpu.memory_space<vmem>> -> memref<1x1536x768xf32, #tpu.memory_space<vmem>>
    %dma_start3A_59 = tpu.memref_squeeze %dma_start3A_58 : memref<1x1536x768xf32, #tpu.memory_space<vmem>> -> memref<1536x768xf32, #tpu.memory_space<vmem>>
    %dma_start3A_60 = arith.constant 0 : i32
    %dma_start3A_61 = arith.constant 0 : i32
    %dma_start3A_62 = tpu.memref_slice %arg6[%dma_start3A_51, %dma_start3A_60, %dma_start3A_61] : memref<16x3072x768xf32, #tpu.memory_space<hbm>> -> memref<1x1536x768xf32, #tpu.memory_space<hbm>>
    %dma_start3A_63 = tpu.memref_squeeze %dma_start3A_62 : memref<1x1536x768xf32, #tpu.memory_space<hbm>> -> memref<1536x768xf32, #tpu.memory_space<hbm>>
    tpu.enqueue_dma source(%dma_start3A_63 : memref<1536x768xf32, #tpu.memory_space<hbm>>) target(%dma_start3A_59 : memref<1536x768xf32, #tpu.memory_space<vmem>>) target_semaphore(%dma_start3A_55 : memref<!tpu.dma_semaphore, #tpu.memory_space<semaphore_mem>>)
    %dma_start3A_64 = arith.constant 1 : i32
    %dma_start3A_65 = arith.constant 2 : i32
    %dma_start3A_66 = arith.constant 2 : i32
    %dma_start3A_67 = tpu.memref_slice %arg14[%dma_start3A_66] : memref<3x!tpu.dma_semaphore, #tpu.memory_space<semaphore_mem>> -> memref<1x!tpu.dma_semaphore, #tpu.memory_space<semaphore_mem>>
    %dma_start3A_68 = tpu.memref_squeeze %dma_start3A_67 : memref<1x!tpu.dma_semaphore, #tpu.memory_space<semaphore_mem>> -> memref<!tpu.dma_semaphore, #tpu.memory_space<semaphore_mem>>
    %dma_start3A_69 = arith.constant 0 : i32
    %dma_start3A_70 = arith.constant 0 : i32
    %dma_start3A_71 = tpu.memref_slice %arg12[%dma_start3A_65, %dma_start3A_69, %dma_start3A_70] : memref<3x768x1536xf32, #tpu.memory_space<vmem>> -> memref<1x768x1536xf32, #tpu.memory_space<vmem>>
    %dma_start3A_72 = tpu.memref_squeeze %dma_start3A_71 : memref<1x768x1536xf32, #tpu.memory_space<vmem>> -> memref<768x1536xf32, #tpu.memory_space<vmem>>
    %dma_start3A_73 = arith.constant 0 : i32
    %dma_start3A_74 = arith.constant 0 : i32
    %dma_start3A_75 = tpu.memref_slice %arg8[%dma_start3A_64, %dma_start3A_73, %dma_start3A_74] : memref<16x768x3072xf32, #tpu.memory_space<hbm>> -> memref<1x768x1536xf32, #tpu.memory_space<hbm>>
    %dma_start3A_76 = tpu.memref_squeeze %dma_start3A_75 : memref<1x768x1536xf32, #tpu.memory_space<hbm>> -> memref<768x1536xf32, #tpu.memory_space<hbm>>
    tpu.enqueue_dma source(%dma_start3A_76 : memref<768x1536xf32, #tpu.memory_space<hbm>>) target(%dma_start3A_72 : memref<768x1536xf32, #tpu.memory_space<vmem>>) target_semaphore(%dma_start3A_68 : memref<!tpu.dma_semaphore, #tpu.memory_space<semaphore_mem>>)
    %scan3A = arith.constant 0 : i32
    %scan3A_77 = arith.constant 32 : i32
    %scan3A_78 = arith.addi %scan3A, %scan3A_77 : i32
    %scan3A_79 = arith.constant 1 : i32
    scf.for %scan3A_81 = %scan3A to %scan3A_78 step %scan3A_79  : i32 {
      %jit3A = arith.constant 2 : i32
      %div3A = arith.divsi %scan3A_81, %jit3A : i32
      %sign3A = arith.constant 0 : i32
      %sign3A_82 = arith.cmpi sgt, %scan3A_81, %sign3A : i32
      %sign3A_83 = arith.extui %sign3A_82 : i1 to i32
      %sign3A_84 = arith.constant 0 : i32
      %sign3A_85 = arith.cmpi slt, %scan3A_81, %sign3A_84 : i32
      %sign3A_86 = arith.extui %sign3A_85 : i1 to i32
      %sign3A_87 = arith.subi %sign3A_83, %sign3A_86 : i32
      %sign3A_88 = arith.constant 0 : i32
      %sign3A_89 = arith.cmpi sgt, %jit3A, %sign3A_88 : i32
      %sign3A_90 = arith.extui %sign3A_89 : i1 to i32
      %sign3A_91 = arith.constant 0 : i32
      %sign3A_92 = arith.cmpi slt, %jit3A, %sign3A_91 : i32
      %sign3A_93 = arith.extui %sign3A_92 : i1 to i32
      %sign3A_94 = arith.subi %sign3A_90, %sign3A_93 : i32
      %ne3A = arith.cmpi ne, %sign3A_87, %sign3A_94 : i32
      %rem3A = arith.remsi %scan3A_81, %jit3A : i32
      %ne3A_95 = arith.constant 0 : i32
      %ne3A_96 = arith.cmpi ne, %rem3A, %ne3A_95 : i32
      %and3A = arith.andi %ne3A, %ne3A_96 : i1
      %sub3A = arith.constant 1 : i32
      %sub3A_97 = arith.subi %div3A, %sub3A : i32
      %select_n3A = arith.select %and3A, %sub3A_97, %div3A : i32
      %jit3A_98 = arith.constant 2 : i32
      %eq3A = arith.constant 0 : i32
      %eq3A_99 = arith.cmpi eq, %jit3A_98, %eq3A : i32
      %jit3A_100 = arith.constant 1 : i32
      %select_n3A_101 = arith.select %eq3A_99, %jit3A_100, %jit3A_98 : i32
      %rem3A_102 = arith.remsi %scan3A_81, %select_n3A_101 : i32
      %ne3A_103 = arith.constant 0 : i32
      %ne3A_104 = arith.cmpi ne, %rem3A_102, %ne3A_103 : i32
      %lt3A = arith.constant 0 : i32
      %lt3A_105 = arith.cmpi slt, %rem3A_102, %lt3A : i32
      %lt3A_106 = arith.constant 0 : i32
      %lt3A_107 = arith.cmpi slt, %select_n3A_101, %lt3A_106 : i32
      %ne3A_108 = arith.xori %lt3A_105, %lt3A_107 : i1
      %and3A_109 = arith.andi %ne3A_108, %ne3A_104 : i1
      %add3A = arith.addi %rem3A_102, %select_n3A_101 : i32
      %select_n3A_110 = arith.select %and3A_109, %add3A, %rem3A_102 : i32
      %jit3A_111 = arith.constant 3 : i32
      %eq3A_112 = arith.constant 0 : i32
      %eq3A_113 = arith.cmpi eq, %jit3A_111, %eq3A_112 : i32
      %jit3A_114 = arith.constant 1 : i32
      %select_n3A_115 = arith.select %eq3A_113, %jit3A_114, %jit3A_111 : i32
      %rem3A_116 = arith.remsi %scan3A_81, %select_n3A_115 : i32
      %ne3A_117 = arith.constant 0 : i32
      %ne3A_118 = arith.cmpi ne, %rem3A_116, %ne3A_117 : i32
      %lt3A_119 = arith.constant 0 : i32
      %lt3A_120 = arith.cmpi slt, %rem3A_116, %lt3A_119 : i32
      %lt3A_121 = arith.constant 0 : i32
      %lt3A_122 = arith.cmpi slt, %select_n3A_115, %lt3A_121 : i32
      %ne3A_123 = arith.xori %lt3A_120, %lt3A_122 : i1
      %and3A_124 = arith.andi %ne3A_123, %ne3A_118 : i1
      %add3A_125 = arith.addi %rem3A_116, %select_n3A_115 : i32
      %select_n3A_126 = arith.select %and3A_124, %add3A_125, %rem3A_116 : i32
      %mul3A = arith.constant 1536 : i32
      %mul3A_127 = arith.muli %select_n3A_110, %mul3A : i32
      %dma_wait3A = tpu.memref_slice %arg13[%select_n3A_126] : memref<3x!tpu.dma_semaphore, #tpu.memory_space<semaphore_mem>> -> memref<1x!tpu.dma_semaphore, #tpu.memory_space<semaphore_mem>>
      %dma_wait3A_128 = tpu.memref_squeeze %dma_wait3A : memref<1x!tpu.dma_semaphore, #tpu.memory_space<semaphore_mem>> -> memref<!tpu.dma_semaphore, #tpu.memory_space<semaphore_mem>>
      %dma_wait3A_129 = arith.constant 0 : i32
      %dma_wait3A_130 = arith.constant 0 : i32
      %dma_wait3A_131 = tpu.memref_slice %arg11[%select_n3A_126, %dma_wait3A_129, %dma_wait3A_130] : memref<3x1536x768xf32, #tpu.memory_space<vmem>> -> memref<1x1536x768xf32, #tpu.memory_space<vmem>>
      %dma_wait3A_132 = tpu.memref_squeeze %dma_wait3A_131 : memref<1x1536x768xf32, #tpu.memory_space<vmem>> -> memref<1536x768xf32, #tpu.memory_space<vmem>>
      %dma_wait3A_133 = arith.constant 0 : i32
      %dma_wait3A_134 = tpu.memref_slice %arg6[%select_n3A, %mul3A_127, %dma_wait3A_133] : memref<16x3072x768xf32, #tpu.memory_space<hbm>> -> memref<1x1536x768xf32, #tpu.memory_space<hbm>>
      %dma_wait3A_135 = tpu.memref_squeeze %dma_wait3A_134 : memref<1x1536x768xf32, #tpu.memory_space<hbm>> -> memref<1536x768xf32, #tpu.memory_space<hbm>>
      tpu.wait_dma2 semaphore(%dma_wait3A_128 : memref<!tpu.dma_semaphore, #tpu.memory_space<semaphore_mem>>) src(%dma_wait3A_135 : memref<1536x768xf32, #tpu.memory_space<hbm>>) dst(%dma_wait3A_132 : memref<1536x768xf32, #tpu.memory_space<vmem>>)
      %mul3A_136 = arith.constant 1536 : i32
      %mul3A_137 = arith.muli %select_n3A_110, %mul3A_136 : i32
      %dma_wait3A_138 = tpu.memref_slice %arg14[%select_n3A_126] : memref<3x!tpu.dma_semaphore, #tpu.memory_space<semaphore_mem>> -> memref<1x!tpu.dma_semaphore, #tpu.memory_space<semaphore_mem>>
      %dma_wait3A_139 = tpu.memref_squeeze %dma_wait3A_138 : memref<1x!tpu.dma_semaphore, #tpu.memory_space<semaphore_mem>> -> memref<!tpu.dma_semaphore, #tpu.memory_space<semaphore_mem>>
      %dma_wait3A_140 = arith.constant 0 : i32
      %dma_wait3A_141 = arith.constant 0 : i32
      %dma_wait3A_142 = tpu.memref_slice %arg12[%select_n3A_126, %dma_wait3A_140, %dma_wait3A_141] : memref<3x768x1536xf32, #tpu.memory_space<vmem>> -> memref<1x768x1536xf32, #tpu.memory_space<vmem>>
      %dma_wait3A_143 = tpu.memref_squeeze %dma_wait3A_142 : memref<1x768x1536xf32, #tpu.memory_space<vmem>> -> memref<768x1536xf32, #tpu.memory_space<vmem>>
      %dma_wait3A_144 = arith.constant 0 : i32
      %dma_wait3A_145 = tpu.memref_slice %arg8[%select_n3A, %dma_wait3A_144, %mul3A_137] : memref<16x768x3072xf32, #tpu.memory_space<hbm>> -> memref<1x768x1536xf32, #tpu.memory_space<hbm>>
      %dma_wait3A_146 = tpu.memref_squeeze %dma_wait3A_145 : memref<1x768x1536xf32, #tpu.memory_space<hbm>> -> memref<768x1536xf32, #tpu.memory_space<hbm>>
      tpu.wait_dma2 semaphore(%dma_wait3A_139 : memref<!tpu.dma_semaphore, #tpu.memory_space<semaphore_mem>>) src(%dma_wait3A_146 : memref<768x1536xf32, #tpu.memory_space<hbm>>) dst(%dma_wait3A_143 : memref<768x1536xf32, #tpu.memory_space<vmem>>)
      %get3A = arith.index_cast %select_n3A : i32 to index
      %get3A_147 = memref.load %arg3[%get3A] : memref<16xi32, #tpu.memory_space<smem>>
      %get3A_148 = arith.index_cast %select_n3A : i32 to index
      %get3A_149 = memref.load %arg4[%get3A_148] : memref<16xi32, #tpu.memory_space<smem>>
      %get3A_150 = arith.index_cast %select_n3A_126 : i32 to index
      %get3A_151 = arith.constant 0 : index
      %get3A_152 = arith.constant 0 : index
      %get3A_153 = vector.load %arg11[%get3A_150, %get3A_151, %get3A_152] : memref<3x1536x768xf32, #tpu.memory_space<vmem>>, vector<1x1536x768xf32>
      %get3A_154 = vector.shape_cast %get3A_153 : vector<1x1536x768xf32> to vector<1536x768xf32>
      %convert_element_type3A = arith.truncf %get3A_154 : vector<1536x768xf32> to vector<1536x768xbf16>
      %get3A_155 = arith.index_cast %select_n3A_126 : i32 to index
      %get3A_156 = arith.constant 0 : index
      %get3A_157 = arith.constant 0 : index
      %get3A_158 = vector.load %arg12[%get3A_155, %get3A_156, %get3A_157] : memref<3x768x1536xf32, #tpu.memory_space<vmem>>, vector<1x768x1536xf32>
      %get3A_159 = vector.shape_cast %get3A_158 : vector<1x768x1536xf32> to vector<768x1536xf32>
      %convert_element_type3A_160 = arith.truncf %get3A_159 : vector<768x1536xf32> to vector<768x1536xbf16>
      %mul3A_161 = arith.constant 1536 : i32
      %mul3A_162 = arith.muli %select_n3A_110, %mul3A_161 : i32
      %get3A_163 = arith.index_cast %select_n3A : i32 to index
      %get3A_164 = arith.constant 0 : index
      %get3A_165 = arith.index_cast %mul3A_162 : i32 to index
      %get3A_166 = vector.load %arg7[%get3A_163, %get3A_164, %get3A_165] : memref<16x1x3072xf32, #tpu.memory_space<vmem>>, vector<1x1x1536xf32>
      %get3A_167 = vector.shape_cast %get3A_166 : vector<1x1x1536xf32> to vector<1536xf32>
      %get3A_168 = arith.index_cast %select_n3A : i32 to index
      %get3A_169 = arith.constant 0 : index
      %get3A_170 = arith.constant 0 : index
      %get3A_171 = vector.load %arg9[%get3A_168, %get3A_169, %get3A_170] : memref<16x1x768xf32, #tpu.memory_space<vmem>>, vector<1x1x768xf32>
      %get3A_172 = vector.shape_cast %get3A_171 : vector<1x1x768xf32> to vector<1x768xf32>
      %get3A_173 = arith.index_cast %select_n3A : i32 to index
      %get3A_174 = memref.load %arg1[%get3A_173] : memref<16xi32, #tpu.memory_space<smem>>
      %get3A_175 = arith.index_cast %select_n3A : i32 to index
      %get3A_176 = memref.load %arg2[%get3A_175] : memref<16xi32, #tpu.memory_space<smem>>
      %while3A = arith.constant 0 : i32
      %while3A_177 = arith.subi %get3A_176, %get3A_174 : i32
      %while3A_178 = arith.addi %get3A_174, %while3A_177 : i32
      %while3A_179 = arith.constant 1 : i32
      %while3A_180 = arith.divsi %while3A_177, %while3A_179 : i32
      %while3A_181 = arith.muli %while3A_180, %while3A_179 : i32
      %while3A_182 = arith.addi %get3A_174, %while3A_181 : i32
      %while3A_183 = arith.constant 1 : i32
      scf.for %while3A_191 = %get3A_174 to %while3A_182 step %while3A_183  : i32 {
        %mul3A_192 = arith.constant 256 : i32
        %mul3A_193 = arith.muli %while3A_191, %mul3A_192 : i32
        %get3A_194 = arith.index_cast %mul3A_193 : i32 to index
        %get3A_195 = arith.constant 0 : index
        %get3A_196 = vector.load %arg5[%get3A_194, %get3A_195] : memref<4096x768xf32, #tpu.memory_space<vmem>>, vector<256x768xf32>
        %convert_element_type3A_197 = arith.truncf %get3A_196 : vector<256x768xf32> to vector<256x768xbf16>
        %dot_general3A = arith.constant dense<0.000000e+00> : vector<256x1536xf32>
        %dot_general3A_198 = tpu.matmul %convert_element_type3A_197, %convert_element_type3A, %dot_general3A {dimension_numbers = #tpu.dot_dimension_numbers<[1], [1], [0], [0], [0, 0, 1, 0], [], []>, transpose_lhs_hint = false} : vector<256x768xbf16>, vector<1536x768xbf16>, vector<256x1536xf32> -> vector<256x1536xf32>
        %broadcast_in_dim3A = vector.shape_cast %get3A_167 : vector<1536xf32> to vector<1x1536xf32>
        %add3A_199 = vector.broadcast %broadcast_in_dim3A : vector<1x1536xf32> to vector<256x1536xf32>
        %add3A_200 = arith.addf %dot_general3A_198, %add3A_199 : vector<256x1536xf32>
        %mul3A_201 = arith.constant 5.000000e-01 : f32
        %mul3A_202 = vector.broadcast %mul3A_201 : f32 to vector<256x1536xf32>
        %mul3A_203 = arith.mulf %mul3A_202, %add3A_200 : vector<256x1536xf32>
        %mul3A_204 = arith.constant 0.707106769 : f32
        %mul3A_205 = vector.broadcast %mul3A_204 : f32 to vector<256x1536xf32>
        %mul3A_206 = arith.mulf %add3A_200, %mul3A_205 : vector<256x1536xf32>
        %erf3A = math.erf %mul3A_206 : vector<256x1536xf32>
        %add3A_207 = arith.constant 1.000000e+00 : f32
        %add3A_208 = vector.broadcast %add3A_207 : f32 to vector<256x1536xf32>
        %add3A_209 = arith.addf %add3A_208, %erf3A : vector<256x1536xf32>
        %mul3A_210 = arith.mulf %mul3A_203, %add3A_209 : vector<256x1536xf32>
        %convert_element_type3A_211 = arith.truncf %mul3A_210 : vector<256x1536xf32> to vector<256x1536xbf16>
        %dot_general3A_212 = arith.constant dense<0.000000e+00> : vector<256x768xf32>
        %dot_general3A_213 = tpu.matmul %convert_element_type3A_211, %convert_element_type3A_160, %dot_general3A_212 {dimension_numbers = #tpu.dot_dimension_numbers<[1], [1], [0], [0], [0, 0, 1, 0], [], []>, transpose_lhs_hint = false} : vector<256x1536xbf16>, vector<768x1536xbf16>, vector<256x768xf32> -> vector<256x768xf32>
        %eq3A_214 = arith.constant 0 : i32
        %eq3A_215 = arith.cmpi eq, %select_n3A_110, %eq3A_214 : i32
        %jit3A_216 = arith.constant 1.000000e+00 : f32
        %jit3A_217 = arith.constant 0.000000e+00 : f32
        %select_n3A_218 = arith.select %eq3A_215, %jit3A_216, %jit3A_217 : f32
        %mul3A_219 = vector.broadcast %select_n3A_218 : f32 to vector<1x768xf32>
        %mul3A_220 = arith.mulf %get3A_172, %mul3A_219 : vector<1x768xf32>
        %add3A_221 = vector.broadcast %mul3A_220 : vector<1x768xf32> to vector<256x768xf32>
        %add3A_222 = arith.addf %dot_general3A_213, %add3A_221 : vector<256x768xf32>
        %iota3A = tpu.iota {dimensions = array<i32: 0>} : vector<256x1xi32>
        %mul3A_223 = arith.constant 256 : i32
        %mul3A_224 = arith.muli %while3A_191, %mul3A_223 : i32
        %add3A_225 = vector.broadcast %mul3A_224 : i32 to vector<256x1xi32>
        %add3A_226 = arith.addi %iota3A, %add3A_225 : vector<256x1xi32>
        %ge3A = vector.broadcast %get3A_147 : i32 to vector<256x1xi32>
        %ge3A_227 = arith.cmpi sge, %add3A_226, %ge3A : vector<256x1xi32>
        %lt3A_228 = vector.broadcast %get3A_149 : i32 to vector<256x1xi32>
        %lt3A_229 = arith.cmpi slt, %add3A_226, %lt3A_228 : vector<256x1xi32>
        %and3A_230 = arith.andi %ge3A_227, %lt3A_229 : vector<256x1xi1>
        %eq3A_231 = arith.constant 0 : i32
        %eq3A_232 = arith.cmpi eq, %select_n3A_110, %eq3A_231 : i32
        %mul3A_233 = arith.constant 256 : i32
        %mul3A_234 = arith.muli %while3A_191, %mul3A_233 : i32
        %ge3A_235 = arith.cmpi sge, %mul3A_234, %get3A_147 : i32
        %and3A_236 = arith.andi %eq3A_232, %ge3A_235 : i1
        %convert_element_type3A_237 = arith.extui %and3A_236 : i1 to i32
        %cond3A_238 = arith.constant 0 : i32
        %cond3A_239 = arith.cmpi ne, %convert_element_type3A_237, %cond3A_238 : i32
        scf.if %cond3A_239 {
          %jit3A_244 = arith.constant 0.000000e+00 : f32
          %broadcast_in_dim3A_245 = vector.shape_cast %and3A_230 : vector<256x1xi1> to vector<256x1xi1>
          %broadcast_in_dim3A_246 = vector.broadcast %broadcast_in_dim3A_245 : vector<256x1xi1> to vector<256x768xi1>
          %broadcast_in_dim3A_247 = vector.broadcast %jit3A_244 : f32 to vector<256x768xf32>
          %select_n3A_248 = arith.select %broadcast_in_dim3A_246, %add3A_222, %broadcast_in_dim3A_247 : vector<256x768xi1>, vector<256x768xf32>
          %mul3A_249 = arith.constant 256 : i32
          %mul3A_250 = arith.muli %while3A_191, %mul3A_249 : i32
          %swap3A = arith.index_cast %mul3A_250 : i32 to index
          %swap3A_251 = arith.constant 0 : index
          %swap3A_252 = vector.load %arg10[%swap3A, %swap3A_251] : memref<4096x768xf32, #tpu.memory_space<vmem>>, vector<256x768xf32>
          tpu.vector_store %arg10[%swap3A, %swap3A_251], %select_n3A_248 {strides = array<i32>} : memref<4096x768xf32, #tpu.memory_space<vmem>>, vector<256x768xf32>,
        } else {
        }
        %not3A = arith.constant true
        %not3A_240 = arith.xori %and3A_236, %not3A : i1
        %convert_element_type3A_241 = arith.extui %not3A_240 : i1 to i32
        %cond3A_242 = arith.constant 0 : i32
        %cond3A_243 = arith.cmpi ne, %convert_element_type3A_241, %cond3A_242 : i32
        scf.if %cond3A_243 {
          %mul3A_244 = arith.constant 256 : i32
          %mul3A_245 = arith.muli %while3A_191, %mul3A_244 : i32
          %get3A_246 = arith.index_cast %mul3A_245 : i32 to index
          %get3A_247 = arith.constant 0 : index
          %get3A_248 = vector.load %arg10[%get3A_246, %get3A_247] : memref<4096x768xf32, #tpu.memory_space<vmem>>, vector<256x768xf32>
          %jit3A_249 = arith.constant 0.000000e+00 : f32
          %broadcast_in_dim3A_250 = vector.shape_cast %and3A_230 : vector<256x1xi1> to vector<256x1xi1>
          %broadcast_in_dim3A_251 = vector.broadcast %broadcast_in_dim3A_250 : vector<256x1xi1> to vector<256x768xi1>
          %broadcast_in_dim3A_252 = vector.broadcast %jit3A_249 : f32 to vector<256x768xf32>
          %select_n3A_253 = arith.select %broadcast_in_dim3A_251, %add3A_222, %broadcast_in_dim3A_252 : vector<256x768xi1>, vector<256x768xf32>
          %add3A_254 = arith.addf %get3A_248, %select_n3A_253 : vector<256x768xf32>
          %swap3A = arith.index_cast %mul3A_245 : i32 to index
          %swap3A_255 = arith.constant 0 : index
          %swap3A_256 = vector.load %arg10[%swap3A, %swap3A_255] : memref<4096x768xf32, #tpu.memory_space<vmem>>, vector<256x768xf32>
          tpu.vector_store %arg10[%swap3A, %swap3A_255], %add3A_254 {strides = array<i32>} : memref<4096x768xf32, #tpu.memory_space<vmem>>, vector<256x768xf32>,
        } else {
        }
      }
      %while3A_184 = arith.constant 1 : i32
      scf.for %while3A_191 = %while3A_182 to %while3A_178 step %while3A_184  : i32 {
        %mul3A_192 = arith.constant 256 : i32
        %mul3A_193 = arith.muli %while3A_191, %mul3A_192 : i32
        %get3A_194 = arith.index_cast %mul3A_193 : i32 to index
        %get3A_195 = arith.constant 0 : index
        %get3A_196 = vector.load %arg5[%get3A_194, %get3A_195] : memref<4096x768xf32, #tpu.memory_space<vmem>>, vector<256x768xf32>
        %convert_element_type3A_197 = arith.truncf %get3A_196 : vector<256x768xf32> to vector<256x768xbf16>
        %dot_general3A = arith.constant dense<0.000000e+00> : vector<256x1536xf32>
        %dot_general3A_198 = tpu.matmul %convert_element_type3A_197, %convert_element_type3A, %dot_general3A {dimension_numbers = #tpu.dot_dimension_numbers<[1], [1], [0], [0], [0, 0, 1, 0], [], []>, transpose_lhs_hint = false} : vector<256x768xbf16>, vector<1536x768xbf16>, vector<256x1536xf32> -> vector<256x1536xf32>
        %broadcast_in_dim3A = vector.shape_cast %get3A_167 : vector<1536xf32> to vector<1x1536xf32>
        %add3A_199 = vector.broadcast %broadcast_in_dim3A : vector<1x1536xf32> to vector<256x1536xf32>
        %add3A_200 = arith.addf %dot_general3A_198, %add3A_199 : vector<256x1536xf32>
        %mul3A_201 = arith.constant 5.000000e-01 : f32
        %mul3A_202 = vector.broadcast %mul3A_201 : f32 to vector<256x1536xf32>
        %mul3A_203 = arith.mulf %mul3A_202, %add3A_200 : vector<256x1536xf32>
        %mul3A_204 = arith.constant 0.707106769 : f32
        %mul3A_205 = vector.broadcast %mul3A_204 : f32 to vector<256x1536xf32>
        %mul3A_206 = arith.mulf %add3A_200, %mul3A_205 : vector<256x1536xf32>
        %erf3A = math.erf %mul3A_206 : vector<256x1536xf32>
        %add3A_207 = arith.constant 1.000000e+00 : f32
        %add3A_208 = vector.broadcast %add3A_207 : f32 to vector<256x1536xf32>
        %add3A_209 = arith.addf %add3A_208, %erf3A : vector<256x1536xf32>
        %mul3A_210 = arith.mulf %mul3A_203, %add3A_209 : vector<256x1536xf32>
        %convert_element_type3A_211 = arith.truncf %mul3A_210 : vector<256x1536xf32> to vector<256x1536xbf16>
        %dot_general3A_212 = arith.constant dense<0.000000e+00> : vector<256x768xf32>
        %dot_general3A_213 = tpu.matmul %convert_element_type3A_211, %convert_element_type3A_160, %dot_general3A_212 {dimension_numbers = #tpu.dot_dimension_numbers<[1], [1], [0], [0], [0, 0, 1, 0], [], []>, transpose_lhs_hint = false} : vector<256x1536xbf16>, vector<768x1536xbf16>, vector<256x768xf32> -> vector<256x768xf32>
        %eq3A_214 = arith.constant 0 : i32
        %eq3A_215 = arith.cmpi eq, %select_n3A_110, %eq3A_214 : i32
        %jit3A_216 = arith.constant 1.000000e+00 : f32
        %jit3A_217 = arith.constant 0.000000e+00 : f32
        %select_n3A_218 = arith.select %eq3A_215, %jit3A_216, %jit3A_217 : f32
        %mul3A_219 = vector.broadcast %select_n3A_218 : f32 to vector<1x768xf32>
        %mul3A_220 = arith.mulf %get3A_172, %mul3A_219 : vector<1x768xf32>
        %add3A_221 = vector.broadcast %mul3A_220 : vector<1x768xf32> to vector<256x768xf32>
        %add3A_222 = arith.addf %dot_general3A_213, %add3A_221 : vector<256x768xf32>
        %iota3A = tpu.iota {dimensions = array<i32: 0>} : vector<256x1xi32>
        %mul3A_223 = arith.constant 256 : i32
        %mul3A_224 = arith.muli %while3A_191, %mul3A_223 : i32
        %add3A_225 = vector.broadcast %mul3A_224 : i32 to vector<256x1xi32>
        %add3A_226 = arith.addi %iota3A, %add3A_225 : vector<256x1xi32>
        %ge3A = vector.broadcast %get3A_147 : i32 to vector<256x1xi32>
        %ge3A_227 = arith.cmpi sge, %add3A_226, %ge3A : vector<256x1xi32>
        %lt3A_228 = vector.broadcast %get3A_149 : i32 to vector<256x1xi32>
        %lt3A_229 = arith.cmpi slt, %add3A_226, %lt3A_228 : vector<256x1xi32>
        %and3A_230 = arith.andi %ge3A_227, %lt3A_229 : vector<256x1xi1>
        %eq3A_231 = arith.constant 0 : i32
        %eq3A_232 = arith.cmpi eq, %select_n3A_110, %eq3A_231 : i32
        %mul3A_233 = arith.constant 256 : i32
        %mul3A_234 = arith.muli %while3A_191, %mul3A_233 : i32
        %ge3A_235 = arith.cmpi sge, %mul3A_234, %get3A_147 : i32
        %and3A_236 = arith.andi %eq3A_232, %ge3A_235 : i1
        %convert_element_type3A_237 = arith.extui %and3A_236 : i1 to i32
        %cond3A_238 = arith.constant 0 : i32
        %cond3A_239 = arith.cmpi ne, %convert_element_type3A_237, %cond3A_238 : i32
        scf.if %cond3A_239 {
          %jit3A_244 = arith.constant 0.000000e+00 : f32
          %broadcast_in_dim3A_245 = vector.shape_cast %and3A_230 : vector<256x1xi1> to vector<256x1xi1>
          %broadcast_in_dim3A_246 = vector.broadcast %broadcast_in_dim3A_245 : vector<256x1xi1> to vector<256x768xi1>
          %broadcast_in_dim3A_247 = vector.broadcast %jit3A_244 : f32 to vector<256x768xf32>
          %select_n3A_248 = arith.select %broadcast_in_dim3A_246, %add3A_222, %broadcast_in_dim3A_247 : vector<256x768xi1>, vector<256x768xf32>
          %mul3A_249 = arith.constant 256 : i32
          %mul3A_250 = arith.muli %while3A_191, %mul3A_249 : i32
          %swap3A = arith.index_cast %mul3A_250 : i32 to index
          %swap3A_251 = arith.constant 0 : index
          %swap3A_252 = vector.load %arg10[%swap3A, %swap3A_251] : memref<4096x768xf32, #tpu.memory_space<vmem>>, vector<256x768xf32>
          tpu.vector_store %arg10[%swap3A, %swap3A_251], %select_n3A_248 {strides = array<i32>} : memref<4096x768xf32, #tpu.memory_space<vmem>>, vector<256x768xf32>,
        } else {
        }
        %not3A = arith.constant true
        %not3A_240 = arith.xori %and3A_236, %not3A : i1
        %convert_element_type3A_241 = arith.extui %not3A_240 : i1 to i32
        %cond3A_242 = arith.constant 0 : i32
        %cond3A_243 = arith.cmpi ne, %convert_element_type3A_241, %cond3A_242 : i32
        scf.if %cond3A_243 {
          %mul3A_244 = arith.constant 256 : i32
          %mul3A_245 = arith.muli %while3A_191, %mul3A_244 : i32
          %get3A_246 = arith.index_cast %mul3A_245 : i32 to index
          %get3A_247 = arith.constant 0 : index
          %get3A_248 = vector.load %arg10[%get3A_246, %get3A_247] : memref<4096x768xf32, #tpu.memory_space<vmem>>, vector<256x768xf32>
          %jit3A_249 = arith.constant 0.000000e+00 : f32
          %broadcast_in_dim3A_250 = vector.shape_cast %and3A_230 : vector<256x1xi1> to vector<256x1xi1>
          %broadcast_in_dim3A_251 = vector.broadcast %broadcast_in_dim3A_250 : vector<256x1xi1> to vector<256x768xi1>
          %broadcast_in_dim3A_252 = vector.broadcast %jit3A_249 : f32 to vector<256x768xf32>
          %select_n3A_253 = arith.select %broadcast_in_dim3A_251, %add3A_222, %broadcast_in_dim3A_252 : vector<256x768xi1>, vector<256x768xf32>
          %add3A_254 = arith.addf %get3A_248, %select_n3A_253 : vector<256x768xf32>
          %swap3A = arith.index_cast %mul3A_245 : i32 to index
          %swap3A_255 = arith.constant 0 : index
          %swap3A_256 = vector.load %arg10[%swap3A, %swap3A_255] : memref<4096x768xf32, #tpu.memory_space<vmem>>, vector<256x768xf32>
          tpu.vector_store %arg10[%swap3A, %swap3A_255], %add3A_254 {strides = array<i32>} : memref<4096x768xf32, #tpu.memory_space<vmem>>, vector<256x768xf32>,
        } else {
        }
      }
      %add3A_185 = arith.constant 3 : i32
      %add3A_186 = arith.addi %scan3A_81, %add3A_185 : i32
      %lt3A_187 = arith.constant 32 : i32
      %lt3A_188 = arith.cmpi slt, %add3A_186, %lt3A_187 : i32
      %convert_element_type3A_189 = arith.extui %lt3A_188 : i1 to i32
      %cond3A = arith.constant 0 : i32
      %cond3A_190 = arith.cmpi ne, %convert_element_type3A_189, %cond3A : i32
      scf.if %cond3A_190 {
        %add3A_191 = arith.constant 3 : i32
        %add3A_192 = arith.addi %scan3A_81, %add3A_191 : i32
        %jit3A_193 = arith.constant 2 : i32
        %div3A_194 = arith.divsi %add3A_192, %jit3A_193 : i32
        %sign3A_195 = arith.constant 0 : i32
        %sign3A_196 = arith.cmpi sgt, %add3A_192, %sign3A_195 : i32
        %sign3A_197 = arith.extui %sign3A_196 : i1 to i32
        %sign3A_198 = arith.constant 0 : i32
        %sign3A_199 = arith.cmpi slt, %add3A_192, %sign3A_198 : i32
        %sign3A_200 = arith.extui %sign3A_199 : i1 to i32
        %sign3A_201 = arith.subi %sign3A_197, %sign3A_200 : i32
        %sign3A_202 = arith.constant 0 : i32
        %sign3A_203 = arith.cmpi sgt, %jit3A_193, %sign3A_202 : i32
        %sign3A_204 = arith.extui %sign3A_203 : i1 to i32
        %sign3A_205 = arith.constant 0 : i32
        %sign3A_206 = arith.cmpi slt, %jit3A_193, %sign3A_205 : i32
        %sign3A_207 = arith.extui %sign3A_206 : i1 to i32
        %sign3A_208 = arith.subi %sign3A_204, %sign3A_207 : i32
        %ne3A_209 = arith.cmpi ne, %sign3A_201, %sign3A_208 : i32
        %rem3A_210 = arith.remsi %add3A_192, %jit3A_193 : i32
        %ne3A_211 = arith.constant 0 : i32
        %ne3A_212 = arith.cmpi ne, %rem3A_210, %ne3A_211 : i32
        %and3A_213 = arith.andi %ne3A_209, %ne3A_212 : i1
        %sub3A_214 = arith.constant 1 : i32
        %sub3A_215 = arith.subi %div3A_194, %sub3A_214 : i32
        %select_n3A_216 = arith.select %and3A_213, %sub3A_215, %div3A_194 : i32
        %jit3A_217 = arith.constant 2 : i32
        %eq3A_218 = arith.constant 0 : i32
        %eq3A_219 = arith.cmpi eq, %jit3A_217, %eq3A_218 : i32
        %jit3A_220 = arith.constant 1 : i32
        %select_n3A_221 = arith.select %eq3A_219, %jit3A_220, %jit3A_217 : i32
        %rem3A_222 = arith.remsi %add3A_192, %select_n3A_221 : i32
        %ne3A_223 = arith.constant 0 : i32
        %ne3A_224 = arith.cmpi ne, %rem3A_222, %ne3A_223 : i32
        %lt3A_225 = arith.constant 0 : i32
        %lt3A_226 = arith.cmpi slt, %rem3A_222, %lt3A_225 : i32
        %lt3A_227 = arith.constant 0 : i32
        %lt3A_228 = arith.cmpi slt, %select_n3A_221, %lt3A_227 : i32
        %ne3A_229 = arith.xori %lt3A_226, %lt3A_228 : i1
        %and3A_230 = arith.andi %ne3A_229, %ne3A_224 : i1
        %add3A_231 = arith.addi %rem3A_222, %select_n3A_221 : i32
        %select_n3A_232 = arith.select %and3A_230, %add3A_231, %rem3A_222 : i32
        %jit3A_233 = arith.constant 3 : i32
        %eq3A_234 = arith.constant 0 : i32
        %eq3A_235 = arith.cmpi eq, %jit3A_233, %eq3A_234 : i32
        %jit3A_236 = arith.constant 1 : i32
        %select_n3A_237 = arith.select %eq3A_235, %jit3A_236, %jit3A_233 : i32
        %rem3A_238 = arith.remsi %add3A_192, %select_n3A_237 : i32
        %ne3A_239 = arith.constant 0 : i32
        %ne3A_240 = arith.cmpi ne, %rem3A_238, %ne3A_239 : i32
        %lt3A_241 = arith.constant 0 : i32
        %lt3A_242 = arith.cmpi slt, %rem3A_238, %lt3A_241 : i32
        %lt3A_243 = arith.constant 0 : i32
        %lt3A_244 = arith.cmpi slt, %select_n3A_237, %lt3A_243 : i32
        %ne3A_245 = arith.xori %lt3A_242, %lt3A_244 : i1
        %and3A_246 = arith.andi %ne3A_245, %ne3A_240 : i1
        %add3A_247 = arith.addi %rem3A_238, %select_n3A_237 : i32
        %select_n3A_248 = arith.select %and3A_246, %add3A_247, %rem3A_238 : i32
        %mul3A_249 = arith.constant 1536 : i32
        %mul3A_250 = arith.muli %select_n3A_232, %mul3A_249 : i32
        %dma_start3A_251 = tpu.memref_slice %arg13[%select_n3A_248] : memref<3x!tpu.dma_semaphore, #tpu.memory_space<semaphore_mem>> -> memref<1x!tpu.dma_semaphore, #tpu.memory_space<semaphore_mem>>
        %dma_start3A_252 = tpu.memref_squeeze %dma_start3A_251 : memref<1x!tpu.dma_semaphore, #tpu.memory_space<semaphore_mem>> -> memref<!tpu.dma_semaphore, #tpu.memory_space<semaphore_mem>>
        %dma_start3A_253 = arith.constant 0 : i32
        %dma_start3A_254 = arith.constant 0 : i32
        %dma_start3A_255 = tpu.memref_slice %arg11[%select_n3A_248, %dma_start3A_253, %dma_start3A_254] : memref<3x1536x768xf32, #tpu.memory_space<vmem>> -> memref<1x1536x768xf32, #tpu.memory_space<vmem>>
        %dma_start3A_256 = tpu.memref_squeeze %dma_start3A_255 : memref<1x1536x768xf32, #tpu.memory_space<vmem>> -> memref<1536x768xf32, #tpu.memory_space<vmem>>
        %dma_start3A_257 = arith.constant 0 : i32
        %dma_start3A_258 = tpu.memref_slice %arg6[%select_n3A_216, %mul3A_250, %dma_start3A_257] : memref<16x3072x768xf32, #tpu.memory_space<hbm>> -> memref<1x1536x768xf32, #tpu.memory_space<hbm>>
        %dma_start3A_259 = tpu.memref_squeeze %dma_start3A_258 : memref<1x1536x768xf32, #tpu.memory_space<hbm>> -> memref<1536x768xf32, #tpu.memory_space<hbm>>
        tpu.enqueue_dma source(%dma_start3A_259 : memref<1536x768xf32, #tpu.memory_space<hbm>>) target(%dma_start3A_256 : memref<1536x768xf32, #tpu.memory_space<vmem>>) target_semaphore(%dma_start3A_252 : memref<!tpu.dma_semaphore, #tpu.memory_space<semaphore_mem>>)
        %mul3A_260 = arith.constant 1536 : i32
        %mul3A_261 = arith.muli %select_n3A_232, %mul3A_260 : i32
        %dma_start3A_262 = tpu.memref_slice %arg14[%select_n3A_248] : memref<3x!tpu.dma_semaphore, #tpu.memory_space<semaphore_mem>> -> memref<1x!tpu.dma_semaphore, #tpu.memory_space<semaphore_mem>>
        %dma_start3A_263 = tpu.memref_squeeze %dma_start3A_262 : memref<1x!tpu.dma_semaphore, #tpu.memory_space<semaphore_mem>> -> memref<!tpu.dma_semaphore, #tpu.memory_space<semaphore_mem>>
        %dma_start3A_264 = arith.constant 0 : i32
        %dma_start3A_265 = arith.constant 0 : i32
        %dma_start3A_266 = tpu.memref_slice %arg12[%select_n3A_248, %dma_start3A_264, %dma_start3A_265] : memref<3x768x1536xf32, #tpu.memory_space<vmem>> -> memref<1x768x1536xf32, #tpu.memory_space<vmem>>
        %dma_start3A_267 = tpu.memref_squeeze %dma_start3A_266 : memref<1x768x1536xf32, #tpu.memory_space<vmem>> -> memref<768x1536xf32, #tpu.memory_space<vmem>>
        %dma_start3A_268 = arith.constant 0 : i32
        %dma_start3A_269 = tpu.memref_slice %arg8[%select_n3A_216, %dma_start3A_268, %mul3A_261] : memref<16x768x3072xf32, #tpu.memory_space<hbm>> -> memref<1x768x1536xf32, #tpu.memory_space<hbm>>
        %dma_start3A_270 = tpu.memref_squeeze %dma_start3A_269 : memref<1x768x1536xf32, #tpu.memory_space<hbm>> -> memref<768x1536xf32, #tpu.memory_space<hbm>>
        tpu.enqueue_dma source(%dma_start3A_270 : memref<768x1536xf32, #tpu.memory_space<hbm>>) target(%dma_start3A_267 : memref<768x1536xf32, #tpu.memory_space<vmem>>) target_semaphore(%dma_start3A_263 : memref<!tpu.dma_semaphore, #tpu.memory_space<semaphore_mem>>)
      } else {
      }
    }
    %scan3A_80 = arith.constant 32 : i32
    return
  }
  func.func @transform_0(%arg0: i32, %arg1: memref<16xi32, #tpu.memory_space<smem>>, %arg2: memref<16xi32, #tpu.memory_space<smem>>, %arg3: memref<16xi32, #tpu.memory_space<smem>>, %arg4: memref<16xi32, #tpu.memory_space<smem>>) -> (i32, i32) {
    %c0_i32 = arith.constant 0 : i32
    %c0_i32_0 = arith.constant 0 : i32
    %c0_i32_1 = arith.constant 0 : i32
    return %c0_i32, %c0_i32_0 : i32, i32
  }
  func.func @transform_2(%arg0: i32, %arg1: memref<16xi32, #tpu.memory_space<smem>>, %arg2: memref<16xi32, #tpu.memory_space<smem>>, %arg3: memref<16xi32, #tpu.memory_space<smem>>, %arg4: memref<16xi32, #tpu.memory_space<smem>>) -> (i32, i32, i32) {
    %c0_i32 = arith.constant 0 : i32
    %c0_i32_0 = arith.constant 0 : i32
    %c0_i32_1 = arith.constant 0 : i32
    %c0_i32_2 = arith.constant 0 : i32
    return %c0_i32, %c0_i32_0, %c0_i32_1 : i32, i32, i32
  }
  func.func @transform_4(%arg0: i32, %arg1: memref<16xi32, #tpu.memory_space<smem>>, %arg2: memref<16xi32, #tpu.memory_space<smem>>, %arg3: memref<16xi32, #tpu.memory_space<smem>>, %arg4: memref<16xi32, #tpu.memory_space<smem>>) -> (i32, i32, i32) {
    %c0_i32 = arith.constant 0 : i32
    %c0_i32_0 = arith.constant 0 : i32
    %c0_i32_1 = arith.constant 0 : i32
    %c0_i32_2 = arith.constant 0 : i32
    return %c0_i32, %c0_i32_0, %c0_i32_1 : i32, i32, i32
  }
  func.func @transform_5(%arg0: i32, %arg1: memref<16xi32, #tpu.memory_space<smem>>, %arg2: memref<16xi32, #tpu.memory_space<smem>>, %arg3: memref<16xi32, #tpu.memory_space<smem>>, %arg4: memref<16xi32, #tpu.memory_space<smem>>) -> (i32, i32) {
    %c0_i32 = arith.constant 0 : i32
    %c0_i32_0 = arith.constant 0 : i32
    %c0_i32_1 = arith.constant 0 : i32
    return %c0_i32, %c0_i32_0 : i32, i32
  }
}

</mosaic_0001>

<sc_bundles>
// kernel: kernel.6.cloned.1.call-start
scs
__scs_entry_jumppad:
0x0: {  	(pc) =	sbr.rel $0x88, $3  }
0x1: {  	(tag) =	ssettag $0x0;
	lr =	simm.s32 $0x1  }
0x2: {  	[smem:$0x3F9A] =	sst lr;
	_ =	strace $0xD0000000  }
0x3: {  	_ = 	snop  }
0x4: {  	_ = 	snop  }
0x5: {  	_ = 	snop  }
0x6: {  	_ = 	snop  }
0x7: {  	_ = 	snop  }
__scs_overlays_trampoline_lowered:
0x8: {  	[smem:$0x3FA9] =	sst s0  }
0x9: {  	[smem:$0x3FAA] =	sst s1  }
0xa: {  	[smem:$0x3FAB] =	sst s2  }
0xb: {  	[smem:$0x3FAC] =	sst s3  }
0xc: {  	[smem:$0x3FAD] =	sst s4  }
0xd: {  	[smem:$0x3FAE] =	sst s5  }
0xe: {  	[smem:$0x3FAF] =	sst s6  }
0xf: {  	[smem:$0x3FB0] =	sst s7  }
0x10: {  	[smem:$0x3FB1] =	sst s8  }
0x11: {  	[smem:$0x3FB2] =	sst s9;
	s0 =	simm.s32 @!p0 $0x0  }
0x12: {  	s1 =	sld [smem:$0x3F98];
	s0 =	simm.s32 @p0 $0x1  }
0x13: {  	[smem:$0x3FB3] =	sst s0;
	s0 =	simm.s32 @!p1 $0x0  }
0x14: {  	s2 =	sld [smem:$0x3F97];
	s0 =	simm.s32 @p1 $0x1  }
0x15: {  	[smem:$0x3FB4] =	sst s0;
	s0 =	simm.s32 @!p2 $0x0  }
0x16: {  	s3 =	sld [smem:$0x3FDB];
	s0 =	simm.s32 @p2 $0x1  }
0x17: {  	s4 =	simm.s32 $0x1BF5;
	[smem:$0x3FB6] =	sst s0  }
0x18: {  	s0 =	sld [smem:$0x3F99];
	_ =	swait.ge [sflag:s4], $0x0  }
0x19: {  	s7 =	sld [smem:$0x3F9A]  }
0x1a: {  	s8 =	sadd.s32 $0xFFFFE003, lr  }
0x1b: {  	s9 =	sadd.s32 $0xFFFFFEF7, lr;
	s5 =	simm.s32 $0xFFFFFFFF;
	p2 =	slt.u32 s8, $0xFFFFF086  }
0x1c: {  	p1 =	slt.u32 s9, $0xF7A;
	s5 =	simm.s32 @!p2 $0x0  }
0x1d: {  	s5 =	simm.s32 @p1 $0x1;
	p0 =	seq.s32 s7, s2  }
0x1e: {  	s7 =	smul.u32 @!p0 $0xF7A, s2;
	p2 =	seq.s32 @!p0 s5, $0x0  }
0x1f: {  	s9 =	smul.u32 $0xF7A, s1;
	s8 =	simm.s32 @!p0 $0x1BF5;
	p2 =	por !p2, p0  }
0x20: {  	[sflag:s8] =	ssyncset.s32 @!p0 $0xFFFFF086;
	s6 =	sadd.s32 @!p0 s3, s7;
	s7 =	simm.s32 @!p0 $0x108  }
0x21: {  	s3 =	sadd.s32 s3, s9;
	s6 =	sadd.s32 @!p0 $0x88, s6;
	s7 =	simm.s32 @p2 $0x1082  }
0x22: {  	[simem:s7], [sflag:s8] =	dma.local @!p0 [hbm:s6], $0xF7A  }
0x23: {  	s9 =	sor.u32 $0xD0000000, s2;
	s6 =	simm.s32 $0x108;
	_ =	swait.ge @!p0 [sflag:s8], $0x0  }
0x24: {  	s3 =	sadd.s32 $0x88, s3;
	s6 =	simm.s32 @!p1 $0x1082;
	[sflag:s4] =	ssyncset.s32 $0xFFFFF086  }
0x25: {  	[simem:s6], [sflag:s4] =	dma.local [hbm:s3], $0xF7A  }
0x26: {  	[smem:$0x3F9A] =	sst s1;
	(tag) =	ssettag s2;
	_ =	strace s9  }
0x27: {  	s1 =	sld [smem:$0x3FAA]  }
0x28: {  	s2 =	sld [smem:$0x3FAB]  }
0x29: {  	s4 =	sld [smem:$0x3FAD]  }
0x2a: {  	p0 =	seq.s32 s5, $0x0;
	s5 =	sld [smem:$0x3FAE]  }
0x2b: {  	s6 =	sld [smem:$0x3FAF]  }
0x2c: {  	s7 =	sld [smem:$0x3FB0]  }
0x2d: {  	s3 =	simm.s32 $0x108;
	s8 =	sld [smem:$0x3FB1]  }
0x2e: {  	s3 =	simm.s32 @!p0 $0x1082;
	s9 =	sld [smem:$0x3FB2]  }
0x2f: {  	lr =	sadd.s32 s0, s3;
	s0 =	sld [smem:$0x3FA9]  }
0x30: {  	s3 =	sld [smem:$0x3FAC]  }
0x31: {  	[smem:$0x3FB5] =	sst s10  }
0x32: {  	s10 =	sld [smem:$0x3FB3];
	_ =	sdelay $0x3  }
0x33: {  	p0 =	seq.s32 s10, $0x1;
	s10 =	sld [smem:$0x3FB5];
	_ =	sdelay $0x3  }
0x34: {  	[smem:$0x3FB5] =	sst s10  }
0x35: {  	s10 =	sld [smem:$0x3FB4];
	_ =	sdelay $0x3  }
0x36: {  	p1 =	seq.s32 s10, $0x1;
	s10 =	sld [smem:$0x3FB5];
	_ =	sdelay $0x3  }
0x37: {  	[smem:$0x3FB5] =	sst s10  }
0x38: {  	s10 =	sld [smem:$0x3FB6]  }
0x39: {  	_ = 	snop;
	(pc) =	sbr.ind lr, $3  }
0x3a: {  	_ = 	snop  }
0x3b: {  	_ = 	snop  }
0x3c: {  	p2 =	seq.s32 s10, $0x1;
	s10 =	sld [smem:$0x3FB5]  }
0x3d: {  	_ =	shalt  }
0x3e: {  	_ =	shalt  }
0x3f: {  	_ =	shalt  }
0x40: {  	_ =	shalt  }
0x41: {  	_ =	shalt  }
0x42: {  	_ =	shalt  }
0x43: {  	_ =	shalt  }
0x44: {  	_ =	shalt  }
0x45: {  	_ =	shalt  }
0x46: {  	_ =	shalt  }
0x47: {  	_ =	shalt  }
0x48: {  	_ =	shalt  }
0x49: {  	_ =	shalt  }
0x4a: {  	_ =	shalt  }
0x4b: {  	_ =	shalt  }
0x4c: {  	_ =	shalt  }
0x4d: {  	_ =	shalt  }
0x4e: {  	_ =	shalt  }
0x4f: {  	_ =	shalt  }
0x50: {  	_ =	shalt  }
0x51: {  	_ =	shalt  }
0x52: {  	_ =	shalt  }
0x53: {  	_ =	shalt  }
0x54: {  	_ =	shalt  }
0x55: {  	_ =	shalt  }
0x56: {  	_ =	shalt  }
0x57: {  	_ =	shalt  }
0x58: {  	_ =	shalt  }
0x59: {  	_ =	shalt  }
0x5a: {  	_ =	shalt  }
0x5b: {  	_ =	shalt  }
0x5c: {  	_ =	shalt  }
0x5d: {  	_ =	shalt  }
0x5e: {  	_ =	shalt  }
0x5f: {  	_ =	shalt  }
0x60: {  	_ =	shalt  }
0x61: {  	_ =	shalt  }
0x62: {  	_ =	shalt  }
0x63: {  	_ =	shalt  }
0x64: {  	_ =	shalt  }
0x65: {  	_ =	shalt  }
0x66: {  	_ =	shalt  }
0x67: {  	_ =	shalt  }
0x68: {  	_ =	shalt  }
0x69: {  	_ =	shalt  }
0x6a: {  	_ =	shalt  }
0x6b: {  	_ =	shalt  }
0x6c: {  	_ =	shalt  }
0x6d: {  	_ =	shalt  }
0x6e: {  	_ =	shalt  }
0x6f: {  	_ =	shalt  }
0x70: {  	_ =	shalt  }
0x71: {  	_ =	shalt  }
0x72: {  	_ =	shalt  }
0x73: {  	_ =	shalt  }
0x74: {  	_ =	shalt  }
0x75: {  	_ =	shalt  }
0x76: {  	_ =	shalt  }
0x77: {  	_ =	shalt  }
0x78: {  	_ =	shalt  }
0x79: {  	_ =	shalt  }
0x7a: {  	_ =	shalt  }
0x7b: {  	_ =	shalt  }
0x7c: {  	_ =	shalt  }
0x7d: {  	_ =	shalt  }
0x7e: {  	_ =	shalt  }
0x7f: {  	_ =	shalt  }
0x80: {  	_ =	shalt  }
0x81: {  	_ =	shalt  }
0x82: {  	_ =	shalt  }
0x83: {  	_ =	shalt  }
0x84: {  	_ =	shalt  }
0x85: {  	_ =	shalt  }
0x86: {  	_ =	shalt  }
0x87: {  	_ =	shalt  }
.Lfunc_end0:
.L_simem_size_0:
called_computation_lowered:
.L_overlay_start_0:
0x88: {  	s2 =	sld [smem:$0x3FD9]  }
0x89: {  	s3 =	sld [smem:$0x3FFE];
	_ =	sdelay $0x1  }
0x8a: {  	s1 =	srdreg.scid  }
0x8b: {  	s0 =	sand.u32 $0x1, s1  }
0x8c: {  	s17 =	sshll.u32 s0, $0xA;
	s2 =	sadd.s32 s3, s2  }
0x8d: {  	s2 =	sadd.s32 s2, s17  }
0x8e: {  	[smem:$0x3FC1] =	sst s2  }
0x8f: {  	_ = 	snop  }
0x90: {  	s2 =	sld [smem:$0x3FC9]  }
0x91: {  	s18 =	sld [smem:$0x3FD0];
	(tm) =	ssettm $0x1  }
0x92: {  	s4 =	sld [smem:$0x3FFB];
	_ =	sdelay $0x3  }
0x93: {  	_ =	strace s4  }
0x94: {  	s4 =	sld [smem:$0x3FFC];
	_ =	sdelay $0x3  }
0x95: {  	_ =	strace s4  }
0x96: {  	s4 =	sld [smem:$0x3FFD];
	_ =	sdelay $0x3  }
0x97: {  	_ =	strace s4  }
0x98: {  	_ =	strace $0x8FFFFFFF  }
0x99: {  	s19 =	sld [smem:$0x3FDB];
	_ =	sdelay $0x1  }
0x9a: {  	s5 =	simm.s32 $_scs_section_size  }
0x9b: {  	s6 =	simm.s32 $_size__tile_overlayer_lowered;
	s7 =	simm.s32 $_tile_overlayer_lowered  }
0x9c: {  	s22 =	simm.s32 $0x1BFF;
	s21 =	sshll.u32 s7, $0x1;
	s4 =	sadd.s32 s5, s19  }
0x9d: {  	s8 =	simm.s32 $0x0;
	s20 =	sshll.u32 s6, $0x1;
	s6 =	sadd.s32 s21, s4  }
0x9e: {  	[timem:s8], [sflag:s22] =	dma.local [hbm:s6], s20  }
0x9f: {  	_ =	swait.ge [sflag:s22], s20  }
0xa0: {  	s5 =	ssub.s32 $0x0, s20;
	[sflag:s22] =	ssyncset.done $0x0  }
0xa1: {  	[sflag:s22] =	ssyncadd.s32 s5;
	_ =	sdelay $0x1  }
0xa2: {  	s23 =	simm.s32 $0x1B8B  }
0xa3: {  	_ =	swait.ge [sflag:s23], $0x1  }
0xa4: {  	[sflag:s23] =	ssyncset.done $0x0  }
0xa5: {  	s25 =	simm.s32 $0x1B8E;
	s24 =	sld [smem:$0x3FFE];
	[sflag:s23] =	ssyncadd.s32 $0xFFFFFFFF  }
0xa6: {  	s26 =	simm.s32 $execute0_lowered;
	[smem:$0x3FD2] =	sst s25  }
0xa7: {  	s6 =	sshll.u32 s26, $0x1;
	_ =	strace $0x80000046;
	[dreg:$0x1] =	wrdreg $0xFFFFFFFF  }
0xa8: {  	s28 =	simm.s32 $_size_execute0_lowered;
	s4 =	sadd.s32 s4, s6;
	[dreg:$0x0] =	wrdreg $0x0  }
0xa9: {  	s6 =	sshll.u32 s28, $0x1;
	[dreg:$0x2] =	wrdreg s4  }
0xaa: {  	[dreg:$0x3] =	wrdreg s6  }
0xab: {  	[dreg:$0x4] =	wrdreg $0xC0  }
0xac: {  	_ =	task [dreg:s8], $0x5FFFF  }
0xad: {  	[dreg:$0x1] =	wrdreg $0xFFFFFFFF  }
0xae: {  	[dreg:$0x0] =	wrdreg $0x60  }
0xaf: {  	[dreg:$0x2] =	wrdreg s2  }
0xb0: {  	[dreg:$0x3] =	wrdreg s24  }
0xb1: {  	[dreg:$0x4] =	wrdreg s18  }
0xb2: {  	[dreg:$0x5] =	wrdreg $0x9  }
0xb3: {  	_ =	task.clear_ibuf [dreg:s8], $0x6FFFF;
	_ =	strace $0x90000046  }
0xb4: {  	s29 =	simm.s32 $0x9;
	_ =	strace $0x80000048  }
0xb5: {  	_ =	swait.ge [sflag:s29], $0x1  }
0xb6: {  	[sflag:s29] =	ssyncadd.s32 $0xFFFFFFFF  }
0xb7: {  	_ =	strace $0x90000048  }
0xb8: {  	_ =	sfence  }
0xb9: {  	s30 =	sld [smem:$0x0];
	_ =	sdelay $0x2  }
0xba: {  	s31 =	sshll.u32 s1, $0xD;
	s1 =	sshrl.u32 s1, $0x2  }
0xbb: {  	s3 =	sand.u32 $0x4000, s31;
	s1 =	sadd.s32 s1, s30  }
0xbc: {  	s0 =	sor.u32 s3, s0;
	s1 =	sshll.u32 s1, $0x11  }
0xbd: {  	s0 =	sor.u32 s1, s0  }
0xbe: {  	s0 =	sadd.s32 $0x8F2B, s0  }
0xbf: {  	[sflag:s0] =	ssyncadd.remote.s32 $0x1  }
0xc0: {  	_ =	sfence.sel $0xFFFF  }
0xc1: {  	[dreg:$0x0] =	wrdreg $0xFFFFFFFF;
	(pc) =	sbr.abs _section_cstart, $3  }
0xc2: {  	[dreg:$0x1] =	wrdreg $0xFFFFFFFF  }
0xc3: {  	_ =	task.clear_ibuf [dreg:s8], $0x2FFFF;
	_ =	strace $0x9FFFFFFF  }
0xc4: {  	(tm) =	ssettm $0x7FFFFFFF  }
0xc5: {  	_ =	shalt  }
tec
execute0_lowered:
.L_overlay_start_1:
0x0: {  	(tag) =	ssettag $0x1  }
0x1: {  	s0 =	srdreg.scid  }
0x2: {  	s1 =	rddreg [dreg:$0x0];
	s4 =	sand.u32 $0x1, s0  }
0x3: {  	s5 =	rddreg [dreg:$0x1];
	s21 =	stileid.u32;
	s3 =	sshll.u32 s4, $0x4  }
0x4: {  	s2 =	rddreg [dreg:$0x2];
	s6 =	sor.u32 s21, s3;
	s3 =	simm.s32 $0x0  }
0x5: {  	s23 =	simm.s32 $0x880;
	[smem:$0x7FF] =	sst s3  }
0x6: {  	s24 =	simm.s32 $0x1080;
	_ =	strace $0x80000047;
	[dreg:$0x7] =	wrdreg s23  }
0x7: {  	s25 =	simm.s32 $0x1880;
	[dreg:$0x8] =	wrdreg s24  }
0x8: {  	s26 =	simm.s32 $0x2080;
	[dreg:$0x9] =	wrdreg s25  }
0x9: {  	s9 =	simm.s32 $0x5080;
	s0 =	simm.s32 $0x2880;
	[dreg:$0xa] =	wrdreg s26  }
0xa: {  	s10 =	simm.s32 $0x5880;
	s11 =	simm.s32 $0x6080;
	[dreg:$0xb] =	wrdreg s0  }
0xb: {  	s12 =	simm.s32 $0x6880;
	s13 =	simm.s32 $0x7080;
	[dreg:$0x10] =	wrdreg s9  }
0xc: {  	s14 =	simm.s32 $0x7880;
	s15 =	simm.s32 $0x8080;
	[dreg:$0x11] =	wrdreg s10  }
0xd: {  	s16 =	simm.s32 $0x8880;
	s17 =	simm.s32 $0x9080;
	[dreg:$0x12] =	wrdreg s11  }
0xe: {  	s19 =	simm.s32 $0x9880;
	s28 =	simm.s32 $0x15880;
	[dreg:$0x13] =	wrdreg s12  }
0xf: {  	s29 =	simm.s32 $0x16080;
	s30 =	simm.s32 $0x16880;
	[dreg:$0x14] =	wrdreg s13  }
0x10: {  	s31 =	simm.s32 $0x17080;
	s4 =	ssub.s32 $0x2, s4;
	[dreg:$0x15] =	wrdreg s14  }
0x11: {  	s18 =	sshrl.u32 s4, $0x1;
	s21 =	simm.s32 $0xA080;
	[dreg:$0x16] =	wrdreg s15  }
0x12: {  	s7 =	smul.u32 $0x18000, s6;
	s8 =	sshll.u32 s6, $0x4;
	[dreg:$0x17] =	wrdreg s16  }
0x13: {  	s6 =	smul.u32 $0x3000, s6;
	s20 =	ssub.s32 s4, s18;
	[dreg:$0x18] =	wrdreg s17  }
0x14: {  	s4 =	sadd.s32 $0x100, s2;
	s18 =	simm.s32 $0x11080;
	[dreg:$0x19] =	wrdreg s19  }
0x15: {  	s5 =	sadd.s32 s5, s8;
	s8 =	simm.s32 $0x4880;
	[dreg:$0x1a] =	wrdreg s21  }
0x16: {  	s23 =	simm.s32 $0xB080;
	s24 =	simm.s32 $0xB880;
	s25 =	simm.s32 $0xC880  }
0x17: {  	s26 =	simm.s32 $0xD080;
	s9 =	simm.s32 $0xC080;
	s10 =	simm.s32 $0x2  }
0x18: {  	s12 =	simm.s32 $0xE080;
	s13 =	simm.s32 $0xE880;
	[dreg:$0x4] =	wrdreg s5  }
0x19: {  	s14 =	simm.s32 $0xF080;
	s15 =	simm.s32 $0xF880;
	[dreg:$0xf] =	wrdreg s8  }
0x1a: {  	s16 =	simm.s32 $0x10080;
	s17 =	simm.s32 $0x10880;
	[dreg:$0x1c] =	wrdreg s23  }
0x1b: {  	s19 =	simm.s32 $0x11880;
	s21 =	simm.s32 $0x12880;
	[dreg:$0x1d] =	wrdreg s24  }
0x1c: {  	s7 =	sshrl.u32 s7, $0x3;
	s22 =	sadd.s32 s1, s6;
	[dreg:$0x1e] =	wrdreg s25  }
0x1d: {  	s5 =	simm.s32 $0x3080;
	s6 =	simm.s32 $0x3880;
	[dreg:$0x1f] =	wrdreg s26  }
0x1e: {  	s8 =	simm.s32 $0x80;
	s23 =	simm.s32 $0x13880;
	[dreg:$0x5] =	wrdreg s22  }
0x1f: {  	s24 =	simm.s32 $0x14080;
	s25 =	simm.s32 $0x14880;
	[dreg:$0xc] =	wrdreg s5  }
0x20: {  	s26 =	simm.s32 $0x15080;
	s1 =	sadd.s32 s1, s7;
	[dreg:$0xd] =	wrdreg s6  }
0x21: {  	s7 =	simm.s32 $0x4080;
	s22 =	simm.s32 $0xA880;
	s5 =	sadd.s32 $0x200, s2  }
0x22: {  	v2 =	vlaneseq.u32;
	s6 =	smax.u32 s20, $0x1;
	s20 =	simm.s32 $0x12080;
	[dreg:$0xe] =	wrdreg s7  }
0x23: {  	vm0 =	vmmov $0xffff;
	v1 =	vshrl.u32 v2, $0x3;
	s1 =	sadd.s32 $0x1800, s1;
	[dreg:$0x1b] =	wrdreg s22;
	s7 =	simm.s32 $0x1  }
0x24: {  	v0 =	vand.u32 $0x7, v2;
	v2 =	vor.u32 $0x8, v2;
	v1 =	vmul.u32 $0x8, v1;
	s22 =	simm.s32 $0x13080;
	[dreg:$0x6] =	wrdreg s1;
	s1 =	simm.s32 $0x17880  }
.LBB2_1:
0x25: {  	s0 =	rddreg [dreg:$0x4]  }
0x26: {  	[tilespmem:s3], [sflag:$0x1] =	stream.linear.gather [hbm4b:s0+s3], $0x80, $0x38;
	[tilespmem:$0x18080] =	vst v63  }
0x27: {  	_ =	swait.ge [sflag:s7], $0x80  }
0x28: {  	[sflag:s7] =	ssyncset.done $0x0  }
0x29: {  	s0 =	rddreg [dreg:$0x5];
	[sflag:s7] =	ssyncadd.s32 $0xFFFFFF80  }
0x2a: {  	[tilespmem:s8], [sflag:$0x1] =	stream.linear.gather [hbm4b:s0+s3], $0xC000, $0x38;
	[tilespmem:$0x18080] =	vst v63  }
0x2b: {  	s11 =	rddreg [dreg:$0x6]  }
0x2c: {  	[tilespmem:s9], [sflag:$0x2] =	stream.linear.gather [hbm4b:s11+s3], $0xC000, $0x38;
	[tilespmem:$0x18080] =	vst v63  }
0x2d: {  	_ =	swait.ge [sflag:s7], $0xC000  }
0x2e: {  	[sflag:s7] =	ssyncset.done $0x0  }
0x2f: {  	[sflag:s7] =	ssyncadd.s32 $0xFFFF4000  }
0x30: {  	v3 =	vld [tilespmem:$0x0];
	_ =	sdelay $0x4  }
0x31: {  	v4 =	vshrl.u32 v3, $0x3  }
0x32: {  	v4 =	vmul.u32 $0x30, v4  }
0x33: {  	v3 =	vand.u32 $0x7, v3  }
0x34: {  	v3 =	vor.u32 v3, v4  }
0x35: {  	v4 =	vperm.xlane v3, v0;
	_ =	sdelay $0x1  }
0x36: {  	v4 =	vadd.s32 v1, v4;
	_ =	sdelay $0x3  }
0x37: {  	v3 =	vperm.xlane v3, v2  }
0x38: {  	[hbm4b:s2+s3] =	stream.indirect_vreg.scatter [tilespmem:s8], [sflag:$0x1], $0x80, v4, vm0, $0xb8;
	[tilespmem:$0x18080] =	vst v63  }
0x39: {  	s0 =	rddreg [dreg:$0x7];
	v3 =	vadd.s32 v1, v3  }
0x3a: {  	[hbm4b:s4+s3] =	stream.indirect_vreg.scatter [tilespmem:s0], [sflag:$0x1], $0x80, v4, vm0, $0xb8;
	[tilespmem:$0x18080] =	vst v63  }
0x3b: {  	s11 =	rddreg [dreg:$0x8]  }
0x3c: {  	[hbm4b:s5+s3] =	stream.indirect_vreg.scatter [tilespmem:s11], [sflag:$0x1], $0x80, v4, vm0, $0xb8;
	[tilespmem:$0x18080] =	vst v63  }
0x3d: {  	s0 =	rddreg [dreg:$0x9]  }
0x3e: {  	[hbm4b:s2+s3] =	stream.indirect_vreg.scatter [tilespmem:s0], [sflag:$0x1], $0x80, v3, vm0, $0xb8;
	[tilespmem:$0x18080] =	vst v63  }
0x3f: {  	s11 =	rddreg [dreg:$0xa]  }
0x40: {  	[hbm4b:s4+s3] =	stream.indirect_vreg.scatter [tilespmem:s11], [sflag:$0x1], $0x80, v3, vm0, $0xb8;
	[tilespmem:$0x18080] =	vst v63  }
0x41: {  	s0 =	rddreg [dreg:$0xb]  }
0x42: {  	[hbm4b:s5+s3] =	stream.indirect_vreg.scatter [tilespmem:s0], [sflag:$0x1], $0x80, v3, vm0, $0xb8;
	[tilespmem:$0x18080] =	vst v63  }
0x43: {  	v3 =	vld [tilespmem:$0x10];
	_ =	sdelay $0x4  }
0x44: {  	v57 =	vshrl.u32 v3, $0x3  }
0x45: {  	v4 =	vmul.u32 $0x30, v57  }
0x46: {  	v3 =	vand.u32 $0x7, v3  }
0x47: {  	v3 =	vor.u32 v3, v4  }
0x48: {  	v4 =	vperm.xlane v3, v0;
	_ =	sdelay $0x1  }
0x49: {  	v4 =	vadd.s32 v1, v4;
	_ =	sdelay $0x3  }
0x4a: {  	s0 =	rddreg [dreg:$0xc];
	v3 =	vperm.xlane v3, v2  }
0x4b: {  	[hbm4b:s2+s3] =	stream.indirect_vreg.scatter [tilespmem:s0], [sflag:$0x1], $0x80, v4, vm0, $0xb8;
	[tilespmem:$0x18080] =	vst v63  }
0x4c: {  	s11 =	rddreg [dreg:$0xd];
	v3 =	vadd.s32 v1, v3  }
0x4d: {  	[hbm4b:s4+s3] =	stream.indirect_vreg.scatter [tilespmem:s11], [sflag:$0x1], $0x80, v4, vm0, $0xb8;
	[tilespmem:$0x18080] =	vst v63  }
0x4e: {  	s0 =	rddreg [dreg:$0xe]  }
0x4f: {  	[hbm4b:s5+s3] =	stream.indirect_vreg.scatter [tilespmem:s0], [sflag:$0x1], $0x80, v4, vm0, $0xb8;
	[tilespmem:$0x18080] =	vst v63  }
0x50: {  	s11 =	rddreg [dreg:$0xf]  }
0x51: {  	[hbm4b:s2+s3] =	stream.indirect_vreg.scatter [tilespmem:s11], [sflag:$0x1], $0x80, v3, vm0, $0xb8;
	[tilespmem:$0x18080] =	vst v63  }
0x52: {  	s0 =	rddreg [dreg:$0x10]  }
0x53: {  	[hbm4b:s4+s3] =	stream.indirect_vreg.scatter [tilespmem:s0], [sflag:$0x1], $0x80, v3, vm0, $0xb8;
	[tilespmem:$0x18080] =	vst v63  }
0x54: {  	s11 =	rddreg [dreg:$0x11]  }
0x55: {  	[hbm4b:s5+s3] =	stream.indirect_vreg.scatter [tilespmem:s11], [sflag:$0x1], $0x80, v3, vm0, $0xb8;
	[tilespmem:$0x18080] =	vst v63  }
0x56: {  	v3 =	vld [tilespmem:$0x20];
	_ =	sdelay $0x4  }
0x57: {  	v58 =	vshrl.u32 v3, $0x3  }
0x58: {  	v4 =	vmul.u32 $0x30, v58  }
0x59: {  	v3 =	vand.u32 $0x7, v3  }
0x5a: {  	v3 =	vor.u32 v3, v4  }
0x5b: {  	v4 =	vperm.xlane v3, v0;
	_ =	sdelay $0x1  }
0x5c: {  	v4 =	vadd.s32 v1, v4;
	_ =	sdelay $0x3  }
0x5d: {  	s0 =	rddreg [dreg:$0x12];
	v3 =	vperm.xlane v3, v2  }
0x5e: {  	[hbm4b:s2+s3] =	stream.indirect_vreg.scatter [tilespmem:s0], [sflag:$0x1], $0x80, v4, vm0, $0xb8;
	[tilespmem:$0x18080] =	vst v63  }
0x5f: {  	s11 =	rddreg [dreg:$0x13];
	v3 =	vadd.s32 v1, v3  }
0x60: {  	[hbm4b:s4+s3] =	stream.indirect_vreg.scatter [tilespmem:s11], [sflag:$0x1], $0x80, v4, vm0, $0xb8;
	[tilespmem:$0x18080] =	vst v63  }
0x61: {  	s0 =	rddreg [dreg:$0x14]  }
0x62: {  	[hbm4b:s5+s3] =	stream.indirect_vreg.scatter [tilespmem:s0], [sflag:$0x1], $0x80, v4, vm0, $0xb8;
	[tilespmem:$0x18080] =	vst v63  }
0x63: {  	s11 =	rddreg [dreg:$0x15]  }
0x64: {  	[hbm4b:s2+s3] =	stream.indirect_vreg.scatter [tilespmem:s11], [sflag:$0x1], $0x80, v3, vm0, $0xb8;
	[tilespmem:$0x18080] =	vst v63  }
0x65: {  	s0 =	rddreg [dreg:$0x16]  }
0x66: {  	[hbm4b:s4+s3] =	stream.indirect_vreg.scatter [tilespmem:s0], [sflag:$0x1], $0x80, v3, vm0, $0xb8;
	[tilespmem:$0x18080] =	vst v63  }
0x67: {  	s11 =	rddreg [dreg:$0x17]  }
0x68: {  	[hbm4b:s5+s3] =	stream.indirect_vreg.scatter [tilespmem:s11], [sflag:$0x1], $0x80, v3, vm0, $0xb8;
	[tilespmem:$0x18080] =	vst v63  }
0x69: {  	v3 =	vld [tilespmem:$0x30];
	_ =	sdelay $0x4  }
0x6a: {  	v59 =	vshrl.u32 v3, $0x3  }
0x6b: {  	v4 =	vmul.u32 $0x30, v59  }
0x6c: {  	v3 =	vand.u32 $0x7, v3  }
0x6d: {  	v3 =	vor.u32 v3, v4  }
0x6e: {  	v4 =	vperm.xlane v3, v0;
	_ =	sdelay $0x1  }
0x6f: {  	v4 =	vadd.s32 v1, v4;
	_ =	sdelay $0x3  }
0x70: {  	s0 =	rddreg [dreg:$0x18];
	v3 =	vperm.xlane v3, v2  }
0x71: {  	[hbm4b:s2+s3] =	stream.indirect_vreg.scatter [tilespmem:s0], [sflag:$0x1], $0x80, v4, vm0, $0xb8;
	[tilespmem:$0x18080] =	vst v63  }
0x72: {  	s11 =	rddreg [dreg:$0x19];
	v3 =	vadd.s32 v1, v3  }
0x73: {  	[hbm4b:s4+s3] =	stream.indirect_vreg.scatter [tilespmem:s11], [sflag:$0x1], $0x80, v4, vm0, $0xb8;
	[tilespmem:$0x18080] =	vst v63  }
0x74: {  	s0 =	rddreg [dreg:$0x1a]  }
0x75: {  	[hbm4b:s5+s3] =	stream.indirect_vreg.scatter [tilespmem:s0], [sflag:$0x1], $0x80, v4, vm0, $0xb8;
	[tilespmem:$0x18080] =	vst v63  }
0x76: {  	s11 =	rddreg [dreg:$0x1b]  }
0x77: {  	[hbm4b:s2+s3] =	stream.indirect_vreg.scatter [tilespmem:s11], [sflag:$0x1], $0x80, v3, vm0, $0xb8;
	[tilespmem:$0x18080] =	vst v63  }
0x78: {  	s0 =	rddreg [dreg:$0x1c]  }
0x79: {  	[hbm4b:s4+s3] =	stream.indirect_vreg.scatter [tilespmem:s0], [sflag:$0x1], $0x80, v3, vm0, $0xb8;
	[tilespmem:$0x18080] =	vst v63  }
0x7a: {  	s11 =	rddreg [dreg:$0x1d]  }
0x7b: {  	[hbm4b:s5+s3] =	stream.indirect_vreg.scatter [tilespmem:s11], [sflag:$0x1], $0x80, v3, vm0, $0xb8;
	[tilespmem:$0x18080] =	vst v63  }
0x7c: {  	_ =	swait.ge [sflag:s7], $0xC000  }
0x7d: {  	[sflag:s7] =	ssyncset.done $0x0  }
0x7e: {  	[sflag:s7] =	ssyncadd.s32 $0xFFFF4000  }
0x7f: {  	_ =	swait.ge [sflag:s10], $0xC000  }
0x80: {  	[sflag:s10] =	ssyncset.done $0x0  }
0x81: {  	[sflag:s10] =	ssyncadd.s32 $0xFFFF4000  }
0x82: {  	v3 =	vld [tilespmem:$0x40];
	_ =	sdelay $0x4  }
0x83: {  	v60 =	vshrl.u32 v3, $0x3  }
0x84: {  	v4 =	vmul.u32 $0x30, v60  }
0x85: {  	v3 =	vand.u32 $0x7, v3  }
0x86: {  	v3 =	vor.u32 v3, v4  }
0x87: {  	v4 =	vperm.xlane v3, v0;
	_ =	sdelay $0x1  }
0x88: {  	v4 =	vadd.s32 v1, v4;
	_ =	sdelay $0x3  }
0x89: {  	v3 =	vperm.xlane v3, v2  }
0x8a: {  	[hbm4b:s2+s3] =	stream.indirect_vreg.scatter [tilespmem:s9], [sflag:$0x2], $0x80, v4, vm0, $0xb8;
	[tilespmem:$0x18080] =	vst v63  }
0x8b: {  	s0 =	rddreg [dreg:$0x1e];
	v3 =	vadd.s32 v1, v3  }
0x8c: {  	[hbm4b:s4+s3] =	stream.indirect_vreg.scatter [tilespmem:s0], [sflag:$0x2], $0x80, v4, vm0, $0xb8;
	[tilespmem:$0x18080] =	vst v63  }
0x8d: {  	s11 =	rddreg [dreg:$0x1f]  }
0x8e: {  	[hbm4b:s5+s3] =	stream.indirect_vreg.scatter [tilespmem:s11], [sflag:$0x2], $0x80, v4, vm0, $0xb8;
	[tilespmem:$0x18080] =	vst v63  }
0x8f: {  	s11 =	simm.s32 $0xD880  }
0x90: {  	[hbm4b:s2+s3] =	stream.indirect_vreg.scatter [tilespmem:s11], [sflag:$0x2], $0x80, v3, vm0, $0xb8;
	[tilespmem:$0x18080] =	vst v63  }
0x91: {  	_ = 	snop  }
0x92: {  	[hbm4b:s4+s3] =	stream.indirect_vreg.scatter [tilespmem:s12], [sflag:$0x2], $0x80, v3, vm0, $0xb8;
	[tilespmem:$0x18080] =	vst v63  }
0x93: {  	_ = 	snop  }
0x94: {  	[hbm4b:s5+s3] =	stream.indirect_vreg.scatter [tilespmem:s13], [sflag:$0x2], $0x80, v3, vm0, $0xb8;
	[tilespmem:$0x18080] =	vst v63  }
0x95: {  	v3 =	vld [tilespmem:$0x50];
	_ =	sdelay $0x4  }
0x96: {  	v61 =	vshrl.u32 v3, $0x3  }
0x97: {  	v4 =	vmul.u32 $0x30, v61  }
0x98: {  	v3 =	vand.u32 $0x7, v3  }
0x99: {  	v3 =	vor.u32 v3, v4  }
0x9a: {  	v4 =	vperm.xlane v3, v0;
	_ =	sdelay $0x1  }
0x9b: {  	v4 =	vadd.s32 v1, v4;
	_ =	sdelay $0x3  }
0x9c: {  	v3 =	vperm.xlane v3, v2  }
0x9d: {  	[hbm4b:s2+s3] =	stream.indirect_vreg.scatter [tilespmem:s14], [sflag:$0x2], $0x80, v4, vm0, $0xb8;
	[tilespmem:$0x18080] =	vst v63  }
0x9e: {  	v3 =	vadd.s32 v1, v3  }
0x9f: {  	[hbm4b:s4+s3] =	stream.indirect_vreg.scatter [tilespmem:s15], [sflag:$0x2], $0x80, v4, vm0, $0xb8;
	[tilespmem:$0x18080] =	vst v63  }
0xa0: {  	_ = 	snop  }
0xa1: {  	[hbm4b:s5+s3] =	stream.indirect_vreg.scatter [tilespmem:s16], [sflag:$0x2], $0x80, v4, vm0, $0xb8;
	[tilespmem:$0x18080] =	vst v63  }
0xa2: {  	_ = 	snop  }
0xa3: {  	[hbm4b:s2+s3] =	stream.indirect_vreg.scatter [tilespmem:s17], [sflag:$0x2], $0x80, v3, vm0, $0xb8;
	[tilespmem:$0x18080] =	vst v63  }
0xa4: {  	_ = 	snop  }
0xa5: {  	[hbm4b:s4+s3] =	stream.indirect_vreg.scatter [tilespmem:s18], [sflag:$0x2], $0x80, v3, vm0, $0xb8;
	[tilespmem:$0x18080] =	vst v63  }
0xa6: {  	_ = 	snop  }
0xa7: {  	[hbm4b:s5+s3] =	stream.indirect_vreg.scatter [tilespmem:s19], [sflag:$0x2], $0x80, v3, vm0, $0xb8;
	[tilespmem:$0x18080] =	vst v63  }
0xa8: {  	v3 =	vld [tilespmem:$0x60];
	_ =	sdelay $0x4  }
0xa9: {  	v62 =	vshrl.u32 v3, $0x3  }
0xaa: {  	v4 =	vmul.u32 $0x30, v62  }
0xab: {  	v3 =	vand.u32 $0x7, v3  }
0xac: {  	v3 =	vor.u32 v3, v4  }
0xad: {  	v4 =	vperm.xlane v3, v0;
	_ =	sdelay $0x1  }
0xae: {  	v4 =	vadd.s32 v1, v4;
	_ =	sdelay $0x3  }
0xaf: {  	v3 =	vperm.xlane v3, v2  }
0xb0: {  	[hbm4b:s2+s3] =	stream.indirect_vreg.scatter [tilespmem:s20], [sflag:$0x2], $0x80, v4, vm0, $0xb8;
	[tilespmem:$0x18080] =	vst v63  }
0xb1: {  	v3 =	vadd.s32 v1, v3  }
0xb2: {  	[hbm4b:s4+s3] =	stream.indirect_vreg.scatter [tilespmem:s21], [sflag:$0x2], $0x80, v4, vm0, $0xb8;
	[tilespmem:$0x18080] =	vst v63  }
0xb3: {  	_ = 	snop  }
0xb4: {  	[hbm4b:s5+s3] =	stream.indirect_vreg.scatter [tilespmem:s22], [sflag:$0x2], $0x80, v4, vm0, $0xb8;
	[tilespmem:$0x18080] =	vst v63  }
0xb5: {  	_ = 	snop  }
0xb6: {  	[hbm4b:s2+s3] =	stream.indirect_vreg.scatter [tilespmem:s23], [sflag:$0x2], $0x80, v3, vm0, $0xb8;
	[tilespmem:$0x18080] =	vst v63  }
0xb7: {  	_ = 	snop  }
0xb8: {  	[hbm4b:s4+s3] =	stream.indirect_vreg.scatter [tilespmem:s24], [sflag:$0x2], $0x80, v3, vm0, $0xb8;
	[tilespmem:$0x18080] =	vst v63  }
0xb9: {  	_ = 	snop  }
0xba: {  	[hbm4b:s5+s3] =	stream.indirect_vreg.scatter [tilespmem:s25], [sflag:$0x2], $0x80, v3, vm0, $0xb8;
	[tilespmem:$0x18080] =	vst v63  }
0xbb: {  	v3 =	vld [tilespmem:$0x70];
	_ =	sdelay $0x4  }
0xbc: {  	v63 =	vshrl.u32 v3, $0x3  }
0xbd: {  	v4 =	vmul.u32 $0x30, v63  }
0xbe: {  	v3 =	vand.u32 $0x7, v3  }
0xbf: {  	v3 =	vor.u32 v3, v4  }
0xc0: {  	v4 =	vperm.xlane v3, v0;
	_ =	sdelay $0x1  }
0xc1: {  	v4 =	vadd.s32 v1, v4;
	_ =	sdelay $0x3  }
0xc2: {  	v3 =	vperm.xlane v3, v2  }
0xc3: {  	[hbm4b:s2+s3] =	stream.indirect_vreg.scatter [tilespmem:s26], [sflag:$0x2], $0x80, v4, vm0, $0xb8;
	[tilespmem:$0x18080] =	vst v63  }
0xc4: {  	v3 =	vadd.s32 v1, v3  }
0xc5: {  	[hbm4b:s4+s3] =	stream.indirect_vreg.scatter [tilespmem:s28], [sflag:$0x2], $0x80, v4, vm0, $0xb8;
	[tilespmem:$0x18080] =	vst v63  }
0xc6: {  	_ = 	snop  }
0xc7: {  	[hbm4b:s5+s3] =	stream.indirect_vreg.scatter [tilespmem:s29], [sflag:$0x2], $0x80, v4, vm0, $0xb8;
	[tilespmem:$0x18080] =	vst v63  }
0xc8: {  	_ = 	snop  }
0xc9: {  	[hbm4b:s2+s3] =	stream.indirect_vreg.scatter [tilespmem:s30], [sflag:$0x2], $0x80, v3, vm0, $0xb8;
	[tilespmem:$0x18080] =	vst v63  }
0xca: {  	p0 =	sne.s32 s6, $0x1  }
0xcb: {  	[hbm4b:s4+s3] =	stream.indirect_vreg.scatter [tilespmem:s31], [sflag:$0x2], $0x80, v3, vm0, $0xb8;
	[tilespmem:$0x18080] =	vst v63  }
.Ltmp0:
0xcc: {  	_ = 	snop;
	(pc) =	sbr.rel @p0 .LBB2_1-.Ltmp0, $4  }
0xcd: {  	[hbm4b:s5+s3] =	stream.indirect_vreg.scatter [tilespmem:s1], [sflag:$0x2], $0x80, v3, vm0, $0xb8;
	[tilespmem:$0x18080] =	vst v63  }
0xce: {  	_ =	swait.ge [sflag:s10], $0xC000  }
0xcf: {  	[sflag:s10] =	ssyncset.done $0x0  }
0xd0: {  	s6 =	sadd.s32 $0xFFFFFFFF, s6;
	[sflag:s10] =	ssyncadd.s32 $0xFFFF4000  }
0xd1: {  	_ =	sfence.sel $0x180000  }
0xd2: {  	[bflag:$0x0] =	sbarrier.arrive $0xFFFF  }
0xd3: {  	_ =	strace $0x90000047  }
0xd4: {  	s0 =	stileid.u32;
	[bflag:$0x2] =	sbarrier.arrive $0xFFFF  }
0xd5: {  	p0 =	sne.s32 s0, $0x0;
	s0 =	rddreg [dreg:$0x3]  }
0xd6: {  	s0 =	sadd.s32 @!p0 $0x100000, s0  }
0xd7: {  	[sflag:s0] =	ssyncadd.tile.s32 @!p0 $0x1;
	_ =	shalt  }
.Lfunc_end2:
_tile_overlayer_lowered:
.L_overlay_start_2:
0xd8: {  	(tag) =	ssettag $0x2  }
0xd9: {  	s0 =	rddreg [dreg:$0x0];
	s2 =	stileid.u32  }
0xda: {  	s1 =	rddreg [dreg:$0x1];
	p0 =	sne.s32 s2, $0x0  }
0xdb: {  	s3 =	rddreg [dreg:$0x2];
	[bflag:$0x3] =	sbarrier.arrive $0xFFFF;
	s2 =	simm.s32 @!p0 $0x1C03  }
0xdc: {  	[timem:s3], [sflag:s2] =	dma.local @!p0 [hbm:s0], s1  }
0xdd: {  	s0 =	simm.s32 @!p0 $0x3  }
0xde: {  	_ =	swait.ge @!p0 [sflag:s0], s1  }
0xdf: {  	s1 =	ssub.s32 @!p0 $0x0, s1;
	[sflag:s0] =	ssyncset.done @!p0 $0x0  }
0xe0: {  	[sflag:s0] =	ssyncadd.s32 @!p0 s1  }
0xe1: {  	[bflag:$0x3] =	sbarrier.arrive $0xFFFF  }
0xe2: {  	_ =	shalt  }

// kernel: kernel.9.cloned.1.call-start
scs
__scs_entry_jumppad:
0x0: {  	(pc) =	sbr.rel $0x88, $3  }
0x1: {  	(tag) =	ssettag $0x0;
	lr =	simm.s32 $0x1  }
0x2: {  	[smem:$0x3F9A] =	sst lr;
	_ =	strace $0xD0000000  }
0x3: {  	_ = 	snop  }
0x4: {  	_ = 	snop  }
0x5: {  	_ = 	snop  }
0x6: {  	_ = 	snop  }
0x7: {  	_ = 	snop  }
__scs_overlays_trampoline_lowered:
0x8: {  	[smem:$0x3FA9] =	sst s0  }
0x9: {  	[smem:$0x3FAA] =	sst s1  }
0xa: {  	[smem:$0x3FAB] =	sst s2  }
0xb: {  	[smem:$0x3FAC] =	sst s3  }
0xc: {  	[smem:$0x3FAD] =	sst s4  }
0xd: {  	[smem:$0x3FAE] =	sst s5  }
0xe: {  	[smem:$0x3FAF] =	sst s6  }
0xf: {  	[smem:$0x3FB0] =	sst s7  }
0x10: {  	[smem:$0x3FB1] =	sst s8  }
0x11: {  	[smem:$0x3FB2] =	sst s9;
	s0 =	simm.s32 @!p0 $0x0  }
0x12: {  	s1 =	sld [smem:$0x3F98];
	s0 =	simm.s32 @p0 $0x1  }
0x13: {  	[smem:$0x3FB3] =	sst s0;
	s0 =	simm.s32 @!p1 $0x0  }
0x14: {  	s2 =	sld [smem:$0x3F97];
	s0 =	simm.s32 @p1 $0x1  }
0x15: {  	[smem:$0x3FB4] =	sst s0;
	s0 =	simm.s32 @!p2 $0x0  }
0x16: {  	s3 =	sld [smem:$0x3FDB];
	s0 =	simm.s32 @p2 $0x1  }
0x17: {  	s4 =	simm.s32 $0x1BF5;
	[smem:$0x3FB6] =	sst s0  }
0x18: {  	s0 =	sld [smem:$0x3F99];
	_ =	swait.ge [sflag:s4], $0x0  }
0x19: {  	s7 =	sld [smem:$0x3F9A]  }
0x1a: {  	s8 =	sadd.s32 $0xFFFFE003, lr  }
0x1b: {  	s9 =	sadd.s32 $0xFFFFFEF7, lr;
	s5 =	simm.s32 $0xFFFFFFFF;
	p2 =	slt.u32 s8, $0xFFFFF086  }
0x1c: {  	p1 =	slt.u32 s9, $0xF7A;
	s5 =	simm.s32 @!p2 $0x0  }
0x1d: {  	s5 =	simm.s32 @p1 $0x1;
	p0 =	seq.s32 s7, s2  }
0x1e: {  	s7 =	smul.u32 @!p0 $0xF7A, s2;
	p2 =	seq.s32 @!p0 s5, $0x0  }
0x1f: {  	s9 =	smul.u32 $0xF7A, s1;
	s8 =	simm.s32 @!p0 $0x1BF5;
	p2 =	por !p2, p0  }
0x20: {  	[sflag:s8] =	ssyncset.s32 @!p0 $0xFFFFF086;
	s6 =	sadd.s32 @!p0 s3, s7;
	s7 =	simm.s32 @!p0 $0x108  }
0x21: {  	s3 =	sadd.s32 s3, s9;
	s6 =	sadd.s32 @!p0 $0x88, s6;
	s7 =	simm.s32 @p2 $0x1082  }
0x22: {  	[simem:s7], [sflag:s8] =	dma.local @!p0 [hbm:s6], $0xF7A  }
0x23: {  	s9 =	sor.u32 $0xD0000000, s2;
	s6 =	simm.s32 $0x108;
	_ =	swait.ge @!p0 [sflag:s8], $0x0  }
0x24: {  	s3 =	sadd.s32 $0x88, s3;
	s6 =	simm.s32 @!p1 $0x1082;
	[sflag:s4] =	ssyncset.s32 $0xFFFFF086  }
0x25: {  	[simem:s6], [sflag:s4] =	dma.local [hbm:s3], $0xF7A  }
0x26: {  	[smem:$0x3F9A] =	sst s1;
	(tag) =	ssettag s2;
	_ =	strace s9  }
0x27: {  	s1 =	sld [smem:$0x3FAA]  }
0x28: {  	s2 =	sld [smem:$0x3FAB]  }
0x29: {  	s4 =	sld [smem:$0x3FAD]  }
0x2a: {  	p0 =	seq.s32 s5, $0x0;
	s5 =	sld [smem:$0x3FAE]  }
0x2b: {  	s6 =	sld [smem:$0x3FAF]  }
0x2c: {  	s7 =	sld [smem:$0x3FB0]  }
0x2d: {  	s3 =	simm.s32 $0x108;
	s8 =	sld [smem:$0x3FB1]  }
0x2e: {  	s3 =	simm.s32 @!p0 $0x1082;
	s9 =	sld [smem:$0x3FB2]  }
0x2f: {  	lr =	sadd.s32 s0, s3;
	s0 =	sld [smem:$0x3FA9]  }
0x30: {  	s3 =	sld [smem:$0x3FAC]  }
0x31: {  	[smem:$0x3FB5] =	sst s10  }
0x32: {  	s10 =	sld [smem:$0x3FB3];
	_ =	sdelay $0x3  }
0x33: {  	p0 =	seq.s32 s10, $0x1;
	s10 =	sld [smem:$0x3FB5];
	_ =	sdelay $0x3  }
0x34: {  	[smem:$0x3FB5] =	sst s10  }
0x35: {  	s10 =	sld [smem:$0x3FB4];
	_ =	sdelay $0x3  }
0x36: {  	p1 =	seq.s32 s10, $0x1;
	s10 =	sld [smem:$0x3FB5];
	_ =	sdelay $0x3  }
0x37: {  	[smem:$0x3FB5] =	sst s10  }
0x38: {  	s10 =	sld [smem:$0x3FB6]  }
0x39: {  	_ = 	snop;
	(pc) =	sbr.ind lr, $3  }
0x3a: {  	_ = 	snop  }
0x3b: {  	_ = 	snop  }
0x3c: {  	p2 =	seq.s32 s10, $0x1;
	s10 =	sld [smem:$0x3FB5]  }
0x3d: {  	_ =	shalt  }
0x3e: {  	_ =	shalt  }
0x3f: {  	_ =	shalt  }
0x40: {  	_ =	shalt  }
0x41: {  	_ =	shalt  }
0x42: {  	_ =	shalt  }
0x43: {  	_ =	shalt  }
0x44: {  	_ =	shalt  }
0x45: {  	_ =	shalt  }
0x46: {  	_ =	shalt  }
0x47: {  	_ =	shalt  }
0x48: {  	_ =	shalt  }
0x49: {  	_ =	shalt  }
0x4a: {  	_ =	shalt  }
0x4b: {  	_ =	shalt  }
0x4c: {  	_ =	shalt  }
0x4d: {  	_ =	shalt  }
0x4e: {  	_ =	shalt  }
0x4f: {  	_ =	shalt  }
0x50: {  	_ =	shalt  }
0x51: {  	_ =	shalt  }
0x52: {  	_ =	shalt  }
0x53: {  	_ =	shalt  }
0x54: {  	_ =	shalt  }
0x55: {  	_ =	shalt  }
0x56: {  	_ =	shalt  }
0x57: {  	_ =	shalt  }
0x58: {  	_ =	shalt  }
0x59: {  	_ =	shalt  }
0x5a: {  	_ =	shalt  }
0x5b: {  	_ =	shalt  }
0x5c: {  	_ =	shalt  }
0x5d: {  	_ =	shalt  }
0x5e: {  	_ =	shalt  }
0x5f: {  	_ =	shalt  }
0x60: {  	_ =	shalt  }
0x61: {  	_ =	shalt  }
0x62: {  	_ =	shalt  }
0x63: {  	_ =	shalt  }
0x64: {  	_ =	shalt  }
0x65: {  	_ =	shalt  }
0x66: {  	_ =	shalt  }
0x67: {  	_ =	shalt  }
0x68: {  	_ =	shalt  }
0x69: {  	_ =	shalt  }
0x6a: {  	_ =	shalt  }
0x6b: {  	_ =	shalt  }
0x6c: {  	_ =	shalt  }
0x6d: {  	_ =	shalt  }
0x6e: {  	_ =	shalt  }
0x6f: {  	_ =	shalt  }
0x70: {  	_ =	shalt  }
0x71: {  	_ =	shalt  }
0x72: {  	_ =	shalt  }
0x73: {  	_ =	shalt  }
0x74: {  	_ =	shalt  }
0x75: {  	_ =	shalt  }
0x76: {  	_ =	shalt  }
0x77: {  	_ =	shalt  }
0x78: {  	_ =	shalt  }
0x79: {  	_ =	shalt  }
0x7a: {  	_ =	shalt  }
0x7b: {  	_ =	shalt  }
0x7c: {  	_ =	shalt  }
0x7d: {  	_ =	shalt  }
0x7e: {  	_ =	shalt  }
0x7f: {  	_ =	shalt  }
0x80: {  	_ =	shalt  }
0x81: {  	_ =	shalt  }
0x82: {  	_ =	shalt  }
0x83: {  	_ =	shalt  }
0x84: {  	_ =	shalt  }
0x85: {  	_ =	shalt  }
0x86: {  	_ =	shalt  }
0x87: {  	_ =	shalt  }
.Lfunc_end0:
.L_simem_size_0:
called_computation.1_lowered:
.L_overlay_start_0:
0x88: {  	s2 =	sld [smem:$0x3FD9]  }
0x89: {  	s3 =	sld [smem:$0x3FFE];
	_ =	sdelay $0x1  }
0x8a: {  	s1 =	srdreg.scid  }
0x8b: {  	s0 =	sand.u32 $0x1, s1  }
0x8c: {  	s17 =	sshll.u32 s0, $0xA;
	s2 =	sadd.s32 s3, s2  }
0x8d: {  	s2 =	sadd.s32 s2, s17  }
0x8e: {  	[smem:$0x3FC1] =	sst s2  }
0x8f: {  	_ = 	snop  }
0x90: {  	s2 =	sld [smem:$0x3FD0];
	(tm) =	ssettm $0x1  }
0x91: {  	s18 =	sld [smem:$0x3FFB];
	_ =	sdelay $0x3  }
0x92: {  	_ =	strace s18  }
0x93: {  	s3 =	sld [smem:$0x3FFC];
	_ =	sdelay $0x3  }
0x94: {  	_ =	strace s3  }
0x95: {  	s3 =	sld [smem:$0x3FFD];
	_ =	sdelay $0x3  }
0x96: {  	_ =	strace s3  }
0x97: {  	_ =	strace $0x8FFFFFFF  }
0x98: {  	s19 =	sld [smem:$0x3FDB];
	_ =	sdelay $0x1  }
0x99: {  	s4 =	simm.s32 $_scs_section_size  }
0x9a: {  	s5 =	simm.s32 $_size__tile_overlayer_lowered;
	s6 =	simm.s32 $_tile_overlayer_lowered  }
0x9b: {  	s22 =	simm.s32 $0x1BFF;
	s21 =	sshll.u32 s6, $0x1;
	s3 =	sadd.s32 s4, s19  }
0x9c: {  	s7 =	simm.s32 $0x0;
	s20 =	sshll.u32 s5, $0x1;
	s5 =	sadd.s32 s21, s3  }
0x9d: {  	[timem:s7], [sflag:s22] =	dma.local [hbm:s5], s20  }
0x9e: {  	_ =	swait.ge [sflag:s22], s20  }
0x9f: {  	s4 =	ssub.s32 $0x0, s20;
	[sflag:s22] =	ssyncset.done $0x0  }
0xa0: {  	[sflag:s22] =	ssyncadd.s32 s4;
	_ =	sdelay $0x1  }
0xa1: {  	s23 =	simm.s32 $0x1B8B  }
0xa2: {  	_ =	swait.ge [sflag:s23], $0x1  }
0xa3: {  	[sflag:s23] =	ssyncset.done $0x0  }
0xa4: {  	s25 =	simm.s32 $0x1B8E;
	s24 =	sld [smem:$0x3FFE];
	[sflag:s23] =	ssyncadd.s32 $0xFFFFFFFF  }
0xa5: {  	s26 =	simm.s32 $execute0_lowered;
	[smem:$0x3FD2] =	sst s25  }
0xa6: {  	s5 =	sshll.u32 s26, $0x1;
	_ =	strace $0x80000049;
	[dreg:$0x1] =	wrdreg $0xFFFFFFFF  }
0xa7: {  	s28 =	simm.s32 $_size_execute0_lowered;
	s3 =	sadd.s32 s3, s5;
	[dreg:$0x0] =	wrdreg $0x0  }
0xa8: {  	s5 =	sshll.u32 s28, $0x1;
	[dreg:$0x2] =	wrdreg s3  }
0xa9: {  	[dreg:$0x3] =	wrdreg s5  }
0xaa: {  	[dreg:$0x4] =	wrdreg $0xC0  }
0xab: {  	_ =	task [dreg:s7], $0x5FFFF  }
0xac: {  	[dreg:$0x1] =	wrdreg $0xFFFFFFFF  }
0xad: {  	[dreg:$0x0] =	wrdreg $0x60  }
0xae: {  	[dreg:$0x2] =	wrdreg s24  }
0xaf: {  	[dreg:$0x3] =	wrdreg s2  }
0xb0: {  	[dreg:$0x4] =	wrdreg $0x9  }
0xb1: {  	_ =	task.clear_ibuf [dreg:s7], $0x5FFFF;
	_ =	strace $0x90000049  }
0xb2: {  	s29 =	simm.s32 $0x9;
	_ =	strace $0x8000004B  }
0xb3: {  	_ =	swait.ge [sflag:s29], $0x1  }
0xb4: {  	[sflag:s29] =	ssyncadd.s32 $0xFFFFFFFF  }
0xb5: {  	_ =	strace $0x9000004B  }
0xb6: {  	_ =	sfence  }
0xb7: {  	s30 =	sld [smem:$0x0];
	_ =	sdelay $0x2  }
0xb8: {  	s31 =	sshll.u32 s1, $0xD;
	s1 =	sshrl.u32 s1, $0x2  }
0xb9: {  	s3 =	sand.u32 $0x4000, s31;
	s1 =	sadd.s32 s1, s30  }
0xba: {  	s0 =	sor.u32 s3, s0;
	s1 =	sshll.u32 s1, $0x11  }
0xbb: {  	s0 =	sor.u32 s1, s0  }
0xbc: {  	s0 =	sadd.s32 $0x8F2B, s0  }
0xbd: {  	[sflag:s0] =	ssyncadd.remote.s32 $0x1  }
0xbe: {  	_ =	sfence.sel $0xFFFF  }
0xbf: {  	[dreg:$0x0] =	wrdreg $0xFFFFFFFF;
	(pc) =	sbr.abs _section_cstart, $3  }
0xc0: {  	[dreg:$0x1] =	wrdreg $0xFFFFFFFF  }
0xc1: {  	_ =	task.clear_ibuf [dreg:s7], $0x2FFFF;
	_ =	strace $0x9FFFFFFF  }
0xc2: {  	(tm) =	ssettm $0x7FFFFFFF  }
0xc3: {  	_ =	shalt  }
tec
execute0_lowered:
.L_overlay_start_1:
0x0: {  	(tag) =	ssettag $0x1  }
0x1: {  	s0 =	srdreg.scid  }
0x2: {  	s4 =	sand.u32 $0x1, s0  }
0x3: {  	s1 =	rddreg [dreg:$0x0];
	s23 =	stileid.u32;
	s2 =	sshll.u32 s4, $0x4  }
0x4: {  	s3 =	rddreg [dreg:$0x1];
	s5 =	sor.u32 s23, s2;
	s2 =	simm.s32 $0x0  }
0x5: {  	s24 =	simm.s32 $0x880;
	[smem:$0x7FF] =	sst s2  }
0x6: {  	s25 =	simm.s32 $0x1080;
	_ =	strace $0x8000004A;
	[dreg:$0x6] =	wrdreg s24  }
0x7: {  	s26 =	simm.s32 $0x1880;
	[dreg:$0x7] =	wrdreg s25  }
0x8: {  	s0 =	simm.s32 $0x2080;
	[dreg:$0x8] =	wrdreg s26  }
0x9: {  	s8 =	simm.s32 $0x4080;
	[dreg:$0x9] =	wrdreg s0  }
0xa: {  	s9 =	simm.s32 $0x4880;
	[dreg:$0xd] =	wrdreg s8  }
0xb: {  	s10 =	simm.s32 $0x5080;
	[dreg:$0xe] =	wrdreg s9  }
0xc: {  	s11 =	simm.s32 $0x5880;
	[dreg:$0xf] =	wrdreg s10  }
0xd: {  	s12 =	simm.s32 $0x6080;
	[dreg:$0x10] =	wrdreg s11  }
0xe: {  	s13 =	simm.s32 $0x6880;
	s14 =	simm.s32 $0x7080;
	[dreg:$0x11] =	wrdreg s12  }
0xf: {  	s15 =	simm.s32 $0x7880;
	s16 =	simm.s32 $0x8080;
	[dreg:$0x12] =	wrdreg s13  }
0x10: {  	s17 =	simm.s32 $0x8880;
	s18 =	simm.s32 $0x9080;
	[dreg:$0x13] =	wrdreg s14  }
0x11: {  	s20 =	simm.s32 $0x9880;
	s21 =	simm.s32 $0xA080;
	[dreg:$0x14] =	wrdreg s15  }
0x12: {  	s22 =	simm.s32 $0xA880;
	s28 =	simm.s32 $0x16080;
	[dreg:$0x15] =	wrdreg s16  }
0x13: {  	s29 =	simm.s32 $0x16880;
	s30 =	simm.s32 $0x17080;
	[dreg:$0x16] =	wrdreg s17  }
0x14: {  	s31 =	simm.s32 $0x17880;
	s4 =	ssub.s32 $0x2, s4;
	[dreg:$0x17] =	wrdreg s18  }
0x15: {  	s19 =	sshrl.u32 s4, $0x1;
	s23 =	simm.s32 $0xB080;
	[dreg:$0x18] =	wrdreg s20  }
0x16: {  	s6 =	smul.u32 $0x18000, s5;
	s7 =	sshll.u32 s5, $0x4;
	[dreg:$0x19] =	wrdreg s21  }
0x17: {  	s5 =	smul.u32 $0x3000, s5;
	s7 =	sadd.s32 s1, s7;
	[dreg:$0x1a] =	wrdreg s22  }
0x18: {  	[dreg:$0x1b] =	wrdreg s23;
	s24 =	simm.s32 $0xB880;
	s25 =	simm.s32 $0xC880  }
0x19: {  	s8 =	simm.s32 $0x80;
	s26 =	simm.s32 $0xD080;
	s9 =	simm.s32 $0xC080  }
0x1a: {  	s11 =	simm.s32 $0xE080;
	s12 =	simm.s32 $0xE880;
	s13 =	simm.s32 $0xF080  }
0x1b: {  	s14 =	simm.s32 $0xF880;
	s15 =	simm.s32 $0x10080;
	s16 =	simm.s32 $0x10880  }
0x1c: {  	s17 =	simm.s32 $0x11080;
	s18 =	simm.s32 $0x11880;
	s20 =	simm.s32 $0x12880  }
0x1d: {  	s21 =	simm.s32 $0x13080;
	s22 =	simm.s32 $0x13880;
	[dreg:$0x3] =	wrdreg s7  }
0x1e: {  	s23 =	simm.s32 $0x14080;
	s6 =	sshrl.u32 s6, $0x3;
	[dreg:$0x1c] =	wrdreg s24  }
0x1f: {  	s5 =	sadd.s32 s3, s5;
	s7 =	simm.s32 $0x3880;
	[dreg:$0x1d] =	wrdreg s25  }
0x20: {  	[dreg:$0x1e] =	wrdreg s26;
	s24 =	simm.s32 $0x14880;
	s25 =	simm.s32 $0x15080  }
0x21: {  	s26 =	simm.s32 $0x15880;
	s3 =	sadd.s32 s3, s6;
	[dreg:$0x4] =	wrdreg s5  }
0x22: {  	s5 =	simm.s32 $0x2880;
	s6 =	simm.s32 $0x3080;
	[dreg:$0xc] =	wrdreg s7  }
0x23: {  	s7 =	simm.s32 $0x1;
	s3 =	sadd.s32 $0x1800, s3;
	[dreg:$0xa] =	wrdreg s5  }
0x24: {  	v2 =	vlaneseq.u32;
	[dreg:$0xb] =	wrdreg s6;
	s6 =	ssub.s32 s4, s19;
	s4 =	sadd.s32 $0x2900, s1  }
0x25: {  	vm0 =	vmmov $0xffff;
	v1 =	vshrl.u32 v2, $0x3;
	s5 =	sadd.s32 $0x2A00, s1;
	s19 =	simm.s32 $0x12080;
	[dreg:$0x5] =	wrdreg s3  }
0x26: {  	v0 =	vand.u32 $0x7, v2;
	v2 =	vor.u32 $0x8, v2;
	v1 =	vmul.u32 $0x8, v1;
	s3 =	sadd.s32 $0x2800, s1;
	s6 =	smax.u32 s6, $0x1;
	s1 =	simm.s32 $0x2  }
.LBB2_1:
0x27: {  	s0 =	rddreg [dreg:$0x3]  }
0x28: {  	[tilespmem:s2], [sflag:$0x1] =	stream.linear.gather [hbm4b:s0+s2], $0x80, $0x38;
	[tilespmem:$0x18080] =	vst v63  }
0x29: {  	_ =	swait.ge [sflag:s7], $0x80  }
0x2a: {  	[sflag:s7] =	ssyncset.done $0x0  }
0x2b: {  	[sflag:s7] =	ssyncadd.s32 $0xFFFFFF80  }
0x2c: {  	v3 =	vld [tilespmem:$0x0];
	_ =	sdelay $0x4  }
0x2d: {  	v4 =	vshrl.u32 v3, $0x3  }
0x2e: {  	v4 =	vmul.u32 $0x30, v4  }
0x2f: {  	v3 =	vand.u32 $0x7, v3  }
0x30: {  	v3 =	vor.u32 v3, v4  }
0x31: {  	v4 =	vperm.xlane v3, v0;
	_ =	sdelay $0x1  }
0x32: {  	v4 =	vadd.s32 v1, v4;
	_ =	sdelay $0x3  }
0x33: {  	v3 =	vperm.xlane v3, v2  }
0x34: {  	[tilespmem:s8], [sflag:$0x1] =	stream.indirect_vreg.gather [hbm4b:s3+s2], $0x80, v4, vm0, $0xb8;
	[tilespmem:$0x18080] =	vst v63  }
0x35: {  	s0 =	rddreg [dreg:$0x6];
	v3 =	vadd.s32 v1, v3  }
0x36: {  	[tilespmem:s0], [sflag:$0x1] =	stream.indirect_vreg.gather [hbm4b:s4+s2], $0x80, v4, vm0, $0xb8;
	[tilespmem:$0x18080] =	vst v63  }
0x37: {  	s10 =	rddreg [dreg:$0x7]  }
0x38: {  	[tilespmem:s10], [sflag:$0x1] =	stream.indirect_vreg.gather [hbm4b:s5+s2], $0x80, v4, vm0, $0xb8;
	[tilespmem:$0x18080] =	vst v63  }
0x39: {  	s0 =	rddreg [dreg:$0x8]  }
0x3a: {  	[tilespmem:s0], [sflag:$0x1] =	stream.indirect_vreg.gather [hbm4b:s3+s2], $0x80, v3, vm0, $0xb8;
	[tilespmem:$0x18080] =	vst v63  }
0x3b: {  	s10 =	rddreg [dreg:$0x9]  }
0x3c: {  	[tilespmem:s10], [sflag:$0x1] =	stream.indirect_vreg.gather [hbm4b:s4+s2], $0x80, v3, vm0, $0xb8;
	[tilespmem:$0x18080] =	vst v63  }
0x3d: {  	s0 =	rddreg [dreg:$0xa]  }
0x3e: {  	[tilespmem:s0], [sflag:$0x1] =	stream.indirect_vreg.gather [hbm4b:s5+s2], $0x80, v3, vm0, $0xb8;
	[tilespmem:$0x18080] =	vst v63  }
0x3f: {  	v3 =	vld [tilespmem:$0x10];
	_ =	sdelay $0x4  }
0x40: {  	v57 =	vshrl.u32 v3, $0x3  }
0x41: {  	v4 =	vmul.u32 $0x30, v57  }
0x42: {  	v3 =	vand.u32 $0x7, v3  }
0x43: {  	v3 =	vor.u32 v3, v4  }
0x44: {  	v4 =	vperm.xlane v3, v0;
	_ =	sdelay $0x1  }
0x45: {  	v4 =	vadd.s32 v1, v4;
	_ =	sdelay $0x3  }
0x46: {  	s0 =	rddreg [dreg:$0xb];
	v3 =	vperm.xlane v3, v2  }
0x47: {  	[tilespmem:s0], [sflag:$0x1] =	stream.indirect_vreg.gather [hbm4b:s3+s2], $0x80, v4, vm0, $0xb8;
	[tilespmem:$0x18080] =	vst v63  }
0x48: {  	s10 =	rddreg [dreg:$0xc];
	v3 =	vadd.s32 v1, v3  }
0x49: {  	[tilespmem:s10], [sflag:$0x1] =	stream.indirect_vreg.gather [hbm4b:s4+s2], $0x80, v4, vm0, $0xb8;
	[tilespmem:$0x18080] =	vst v63  }
0x4a: {  	s0 =	rddreg [dreg:$0xd]  }
0x4b: {  	[tilespmem:s0], [sflag:$0x1] =	stream.indirect_vreg.gather [hbm4b:s5+s2], $0x80, v4, vm0, $0xb8;
	[tilespmem:$0x18080] =	vst v63  }
0x4c: {  	s10 =	rddreg [dreg:$0xe]  }
0x4d: {  	[tilespmem:s10], [sflag:$0x1] =	stream.indirect_vreg.gather [hbm4b:s3+s2], $0x80, v3, vm0, $0xb8;
	[tilespmem:$0x18080] =	vst v63  }
0x4e: {  	s0 =	rddreg [dreg:$0xf]  }
0x4f: {  	[tilespmem:s0], [sflag:$0x1] =	stream.indirect_vreg.gather [hbm4b:s4+s2], $0x80, v3, vm0, $0xb8;
	[tilespmem:$0x18080] =	vst v63  }
0x50: {  	s10 =	rddreg [dreg:$0x10]  }
0x51: {  	[tilespmem:s10], [sflag:$0x1] =	stream.indirect_vreg.gather [hbm4b:s5+s2], $0x80, v3, vm0, $0xb8;
	[tilespmem:$0x18080] =	vst v63  }
0x52: {  	v3 =	vld [tilespmem:$0x20];
	_ =	sdelay $0x4  }
0x53: {  	v58 =	vshrl.u32 v3, $0x3  }
0x54: {  	v4 =	vmul.u32 $0x30, v58  }
0x55: {  	v3 =	vand.u32 $0x7, v3  }
0x56: {  	v3 =	vor.u32 v3, v4  }
0x57: {  	v4 =	vperm.xlane v3, v0;
	_ =	sdelay $0x1  }
0x58: {  	v4 =	vadd.s32 v1, v4;
	_ =	sdelay $0x3  }
0x59: {  	s0 =	rddreg [dreg:$0x11];
	v3 =	vperm.xlane v3, v2  }
0x5a: {  	[tilespmem:s0], [sflag:$0x1] =	stream.indirect_vreg.gather [hbm4b:s3+s2], $0x80, v4, vm0, $0xb8;
	[tilespmem:$0x18080] =	vst v63  }
0x5b: {  	s10 =	rddreg [dreg:$0x12];
	v3 =	vadd.s32 v1, v3  }
0x5c: {  	[tilespmem:s10], [sflag:$0x1] =	stream.indirect_vreg.gather [hbm4b:s4+s2], $0x80, v4, vm0, $0xb8;
	[tilespmem:$0x18080] =	vst v63  }
0x5d: {  	s0 =	rddreg [dreg:$0x13]  }
0x5e: {  	[tilespmem:s0], [sflag:$0x1] =	stream.indirect_vreg.gather [hbm4b:s5+s2], $0x80, v4, vm0, $0xb8;
	[tilespmem:$0x18080] =	vst v63  }
0x5f: {  	s10 =	rddreg [dreg:$0x14]  }
0x60: {  	[tilespmem:s10], [sflag:$0x1] =	stream.indirect_vreg.gather [hbm4b:s3+s2], $0x80, v3, vm0, $0xb8;
	[tilespmem:$0x18080] =	vst v63  }
0x61: {  	s0 =	rddreg [dreg:$0x15]  }
0x62: {  	[tilespmem:s0], [sflag:$0x1] =	stream.indirect_vreg.gather [hbm4b:s4+s2], $0x80, v3, vm0, $0xb8;
	[tilespmem:$0x18080] =	vst v63  }
0x63: {  	s10 =	rddreg [dreg:$0x16]  }
0x64: {  	[tilespmem:s10], [sflag:$0x1] =	stream.indirect_vreg.gather [hbm4b:s5+s2], $0x80, v3, vm0, $0xb8;
	[tilespmem:$0x18080] =	vst v63  }
0x65: {  	v3 =	vld [tilespmem:$0x30];
	_ =	sdelay $0x4  }
0x66: {  	v59 =	vshrl.u32 v3, $0x3  }
0x67: {  	v4 =	vmul.u32 $0x30, v59  }
0x68: {  	v3 =	vand.u32 $0x7, v3  }
0x69: {  	v3 =	vor.u32 v3, v4  }
0x6a: {  	v4 =	vperm.xlane v3, v0;
	_ =	sdelay $0x1  }
0x6b: {  	v4 =	vadd.s32 v1, v4;
	_ =	sdelay $0x3  }
0x6c: {  	s0 =	rddreg [dreg:$0x17];
	v3 =	vperm.xlane v3, v2  }
0x6d: {  	[tilespmem:s0], [sflag:$0x1] =	stream.indirect_vreg.gather [hbm4b:s3+s2], $0x80, v4, vm0, $0xb8;
	[tilespmem:$0x18080] =	vst v63  }
0x6e: {  	s10 =	rddreg [dreg:$0x18];
	v3 =	vadd.s32 v1, v3  }
0x6f: {  	[tilespmem:s10], [sflag:$0x1] =	stream.indirect_vreg.gather [hbm4b:s4+s2], $0x80, v4, vm0, $0xb8;
	[tilespmem:$0x18080] =	vst v63  }
0x70: {  	s0 =	rddreg [dreg:$0x19]  }
0x71: {  	[tilespmem:s0], [sflag:$0x1] =	stream.indirect_vreg.gather [hbm4b:s5+s2], $0x80, v4, vm0, $0xb8;
	[tilespmem:$0x18080] =	vst v63  }
0x72: {  	s10 =	rddreg [dreg:$0x1a]  }
0x73: {  	[tilespmem:s10], [sflag:$0x1] =	stream.indirect_vreg.gather [hbm4b:s3+s2], $0x80, v3, vm0, $0xb8;
	[tilespmem:$0x18080] =	vst v63  }
0x74: {  	s0 =	rddreg [dreg:$0x1b]  }
0x75: {  	[tilespmem:s0], [sflag:$0x1] =	stream.indirect_vreg.gather [hbm4b:s4+s2], $0x80, v3, vm0, $0xb8;
	[tilespmem:$0x18080] =	vst v63  }
0x76: {  	s10 =	rddreg [dreg:$0x1c]  }
0x77: {  	[tilespmem:s10], [sflag:$0x1] =	stream.indirect_vreg.gather [hbm4b:s5+s2], $0x80, v3, vm0, $0xb8;
	[tilespmem:$0x18080] =	vst v63  }
0x78: {  	v3 =	vld [tilespmem:$0x40];
	_ =	sdelay $0x4  }
0x79: {  	v60 =	vshrl.u32 v3, $0x3  }
0x7a: {  	v4 =	vmul.u32 $0x30, v60  }
0x7b: {  	v3 =	vand.u32 $0x7, v3  }
0x7c: {  	v3 =	vor.u32 v3, v4  }
0x7d: {  	v4 =	vperm.xlane v3, v0;
	_ =	sdelay $0x1  }
0x7e: {  	v4 =	vadd.s32 v1, v4;
	_ =	sdelay $0x3  }
0x7f: {  	v3 =	vperm.xlane v3, v2  }
0x80: {  	[tilespmem:s9], [sflag:$0x2] =	stream.indirect_vreg.gather [hbm4b:s3+s2], $0x80, v4, vm0, $0xb8;
	[tilespmem:$0x18080] =	vst v63  }
0x81: {  	s0 =	rddreg [dreg:$0x1d];
	v3 =	vadd.s32 v1, v3  }
0x82: {  	[tilespmem:s0], [sflag:$0x2] =	stream.indirect_vreg.gather [hbm4b:s4+s2], $0x80, v4, vm0, $0xb8;
	[tilespmem:$0x18080] =	vst v63  }
0x83: {  	s10 =	rddreg [dreg:$0x1e]  }
0x84: {  	[tilespmem:s10], [sflag:$0x2] =	stream.indirect_vreg.gather [hbm4b:s5+s2], $0x80, v4, vm0, $0xb8;
	[tilespmem:$0x18080] =	vst v63  }
0x85: {  	s10 =	simm.s32 $0xD880  }
0x86: {  	[tilespmem:s10], [sflag:$0x2] =	stream.indirect_vreg.gather [hbm4b:s3+s2], $0x80, v3, vm0, $0xb8;
	[tilespmem:$0x18080] =	vst v63  }
0x87: {  	_ = 	snop  }
0x88: {  	[tilespmem:s11], [sflag:$0x2] =	stream.indirect_vreg.gather [hbm4b:s4+s2], $0x80, v3, vm0, $0xb8;
	[tilespmem:$0x18080] =	vst v63  }
0x89: {  	_ = 	snop  }
0x8a: {  	[tilespmem:s12], [sflag:$0x2] =	stream.indirect_vreg.gather [hbm4b:s5+s2], $0x80, v3, vm0, $0xb8;
	[tilespmem:$0x18080] =	vst v63  }
0x8b: {  	v3 =	vld [tilespmem:$0x50];
	_ =	sdelay $0x4  }
0x8c: {  	v61 =	vshrl.u32 v3, $0x3  }
0x8d: {  	v4 =	vmul.u32 $0x30, v61  }
0x8e: {  	v3 =	vand.u32 $0x7, v3  }
0x8f: {  	v3 =	vor.u32 v3, v4  }
0x90: {  	v4 =	vperm.xlane v3, v0;
	_ =	sdelay $0x1  }
0x91: {  	v4 =	vadd.s32 v1, v4;
	_ =	sdelay $0x3  }
0x92: {  	v3 =	vperm.xlane v3, v2  }
0x93: {  	[tilespmem:s13], [sflag:$0x2] =	stream.indirect_vreg.gather [hbm4b:s3+s2], $0x80, v4, vm0, $0xb8;
	[tilespmem:$0x18080] =	vst v63  }
0x94: {  	v3 =	vadd.s32 v1, v3  }
0x95: {  	[tilespmem:s14], [sflag:$0x2] =	stream.indirect_vreg.gather [hbm4b:s4+s2], $0x80, v4, vm0, $0xb8;
	[tilespmem:$0x18080] =	vst v63  }
0x96: {  	_ = 	snop  }
0x97: {  	[tilespmem:s15], [sflag:$0x2] =	stream.indirect_vreg.gather [hbm4b:s5+s2], $0x80, v4, vm0, $0xb8;
	[tilespmem:$0x18080] =	vst v63  }
0x98: {  	_ = 	snop  }
0x99: {  	[tilespmem:s16], [sflag:$0x2] =	stream.indirect_vreg.gather [hbm4b:s3+s2], $0x80, v3, vm0, $0xb8;
	[tilespmem:$0x18080] =	vst v63  }
0x9a: {  	_ = 	snop  }
0x9b: {  	[tilespmem:s17], [sflag:$0x2] =	stream.indirect_vreg.gather [hbm4b:s4+s2], $0x80, v3, vm0, $0xb8;
	[tilespmem:$0x18080] =	vst v63  }
0x9c: {  	_ = 	snop  }
0x9d: {  	[tilespmem:s18], [sflag:$0x2] =	stream.indirect_vreg.gather [hbm4b:s5+s2], $0x80, v3, vm0, $0xb8;
	[tilespmem:$0x18080] =	vst v63  }
0x9e: {  	v3 =	vld [tilespmem:$0x60];
	_ =	sdelay $0x4  }
0x9f: {  	v62 =	vshrl.u32 v3, $0x3  }
0xa0: {  	v4 =	vmul.u32 $0x30, v62  }
0xa1: {  	v3 =	vand.u32 $0x7, v3  }
0xa2: {  	v3 =	vor.u32 v3, v4  }
0xa3: {  	v4 =	vperm.xlane v3, v0;
	_ =	sdelay $0x1  }
0xa4: {  	v4 =	vadd.s32 v1, v4;
	_ =	sdelay $0x3  }
0xa5: {  	v3 =	vperm.xlane v3, v2  }
0xa6: {  	[tilespmem:s19], [sflag:$0x2] =	stream.indirect_vreg.gather [hbm4b:s3+s2], $0x80, v4, vm0, $0xb8;
	[tilespmem:$0x18080] =	vst v63  }
0xa7: {  	v3 =	vadd.s32 v1, v3  }
0xa8: {  	[tilespmem:s20], [sflag:$0x2] =	stream.indirect_vreg.gather [hbm4b:s4+s2], $0x80, v4, vm0, $0xb8;
	[tilespmem:$0x18080] =	vst v63  }
0xa9: {  	_ = 	snop  }
0xaa: {  	[tilespmem:s21], [sflag:$0x2] =	stream.indirect_vreg.gather [hbm4b:s5+s2], $0x80, v4, vm0, $0xb8;
	[tilespmem:$0x18080] =	vst v63  }
0xab: {  	_ = 	snop  }
0xac: {  	[tilespmem:s22], [sflag:$0x2] =	stream.indirect_vreg.gather [hbm4b:s3+s2], $0x80, v3, vm0, $0xb8;
	[tilespmem:$0x18080] =	vst v63  }
0xad: {  	_ = 	snop  }
0xae: {  	[tilespmem:s23], [sflag:$0x2] =	stream.indirect_vreg.gather [hbm4b:s4+s2], $0x80, v3, vm0, $0xb8;
	[tilespmem:$0x18080] =	vst v63  }
0xaf: {  	_ = 	snop  }
0xb0: {  	[tilespmem:s24], [sflag:$0x2] =	stream.indirect_vreg.gather [hbm4b:s5+s2], $0x80, v3, vm0, $0xb8;
	[tilespmem:$0x18080] =	vst v63  }
0xb1: {  	v3 =	vld [tilespmem:$0x70];
	_ =	sdelay $0x4  }
0xb2: {  	v63 =	vshrl.u32 v3, $0x3  }
0xb3: {  	v4 =	vmul.u32 $0x30, v63  }
0xb4: {  	v3 =	vand.u32 $0x7, v3  }
0xb5: {  	v3 =	vor.u32 v3, v4  }
0xb6: {  	v4 =	vperm.xlane v3, v0;
	_ =	sdelay $0x1  }
0xb7: {  	v4 =	vadd.s32 v1, v4;
	_ =	sdelay $0x3  }
0xb8: {  	v3 =	vperm.xlane v3, v2  }
0xb9: {  	[tilespmem:s25], [sflag:$0x2] =	stream.indirect_vreg.gather [hbm4b:s3+s2], $0x80, v4, vm0, $0xb8;
	[tilespmem:$0x18080] =	vst v63  }
0xba: {  	v3 =	vadd.s32 v1, v3  }
0xbb: {  	[tilespmem:s26], [sflag:$0x2] =	stream.indirect_vreg.gather [hbm4b:s4+s2], $0x80, v4, vm0, $0xb8;
	[tilespmem:$0x18080] =	vst v63  }
0xbc: {  	_ = 	snop  }
0xbd: {  	[tilespmem:s28], [sflag:$0x2] =	stream.indirect_vreg.gather [hbm4b:s5+s2], $0x80, v4, vm0, $0xb8;
	[tilespmem:$0x18080] =	vst v63  }
0xbe: {  	_ = 	snop  }
0xbf: {  	[tilespmem:s29], [sflag:$0x2] =	stream.indirect_vreg.gather [hbm4b:s3+s2], $0x80, v3, vm0, $0xb8;
	[tilespmem:$0x18080] =	vst v63  }
0xc0: {  	_ = 	snop  }
0xc1: {  	[tilespmem:s30], [sflag:$0x2] =	stream.indirect_vreg.gather [hbm4b:s4+s2], $0x80, v3, vm0, $0xb8;
	[tilespmem:$0x18080] =	vst v63  }
0xc2: {  	_ = 	snop  }
0xc3: {  	[tilespmem:s31], [sflag:$0x2] =	stream.indirect_vreg.gather [hbm4b:s5+s2], $0x80, v3, vm0, $0xb8;
	[tilespmem:$0x18080] =	vst v63  }
0xc4: {  	_ =	swait.ge [sflag:s7], $0xC000  }
0xc5: {  	[sflag:s7] =	ssyncset.done $0x0  }
0xc6: {  	s10 =	rddreg [dreg:$0x4];
	[sflag:s7] =	ssyncadd.s32 $0xFFFF4000  }
0xc7: {  	[hbm4b:s10+s2] =	stream.linear.scatter [tilespmem:s8], [sflag:$0x1], $0xC000, $0x38;
	[tilespmem:$0x18080] =	vst v63  }
0xc8: {  	_ =	swait.ge [sflag:s7], $0xC000  }
0xc9: {  	[sflag:s7] =	ssyncset.done $0x0  }
0xca: {  	[sflag:s7] =	ssyncadd.s32 $0xFFFF4000  }
0xcb: {  	_ =	swait.ge [sflag:s1], $0xC000  }
0xcc: {  	p0 =	sne.s32 s6, $0x1;
	[sflag:s1] =	ssyncset.done $0x0  }
.Ltmp0:
0xcd: {  	s10 =	rddreg [dreg:$0x5];
	[sflag:s1] =	ssyncadd.s32 $0xFFFF4000;
	(pc) =	sbr.rel @p0 .LBB2_1-.Ltmp0, $4  }
0xce: {  	[hbm4b:s10+s2] =	stream.linear.scatter [tilespmem:s9], [sflag:$0x2], $0xC000, $0x38;
	[tilespmem:$0x18080] =	vst v63  }
0xcf: {  	_ =	swait.ge [sflag:s1], $0xC000  }
0xd0: {  	[sflag:s1] =	ssyncset.done $0x0  }
0xd1: {  	s6 =	sadd.s32 $0xFFFFFFFF, s6;
	[sflag:s1] =	ssyncadd.s32 $0xFFFF4000  }
0xd2: {  	_ =	sfence.sel $0x180000  }
0xd3: {  	[bflag:$0x0] =	sbarrier.arrive $0xFFFF  }
0xd4: {  	_ =	strace $0x9000004A  }
0xd5: {  	s0 =	stileid.u32;
	[bflag:$0x2] =	sbarrier.arrive $0xFFFF  }
0xd6: {  	p0 =	sne.s32 s0, $0x0;
	s0 =	rddreg [dreg:$0x2]  }
0xd7: {  	s0 =	sadd.s32 @!p0 $0x100000, s0  }
0xd8: {  	[sflag:s0] =	ssyncadd.tile.s32 @!p0 $0x1;
	_ =	shalt  }
.Lfunc_end2:
_tile_overlayer_lowered:
.L_overlay_start_2:
0xd9: {  	(tag) =	ssettag $0x2  }
0xda: {  	s0 =	rddreg [dreg:$0x0];
	s2 =	stileid.u32  }
0xdb: {  	s1 =	rddreg [dreg:$0x1];
	p0 =	sne.s32 s2, $0x0  }
0xdc: {  	s3 =	rddreg [dreg:$0x2];
	[bflag:$0x3] =	sbarrier.arrive $0xFFFF;
	s2 =	simm.s32 @!p0 $0x1C03  }
0xdd: {  	[timem:s3], [sflag:s2] =	dma.local @!p0 [hbm:s0], s1  }
0xde: {  	s0 =	simm.s32 @!p0 $0x3  }
0xdf: {  	_ =	swait.ge @!p0 [sflag:s0], s1  }
0xe0: {  	s1 =	ssub.s32 @!p0 $0x0, s1;
	[sflag:s0] =	ssyncset.done @!p0 $0x0  }
0xe1: {  	[sflag:s0] =	ssyncadd.s32 @!p0 s1  }
0xe2: {  	[bflag:$0x3] =	sbarrier.arrive $0xFFFF  }
0xe3: {  	_ =	shalt  }

</sc_bundles>
